<compile_context>
chip_gen: v7x
topology: tpu7x:2x2x1
jax: 0.10.2.dev20260603
libtpu: 0.0.44.dev20260713+nightly
codegen_flags: <defaults>
</compile_context>

<pallas_src>
import jax
import jax.numpy as jnp
from jax import lax
from jax.experimental import pallas as pl
from jax.experimental.pallas import tpu as pltpu
from jax.experimental.pallas import tpu_sc as plsc

N = 50000
E = 800000
D = 64

NC = 2
NS = 16

CHUNK = 128
CPS = 14
EDGES_PER_TILE = 2 * CPS * CPS * CHUNK
E_PAD = NS * EDGES_PER_TILE

CH_C = 128
CPS_C = 14
SUP_C = 28
EPT_C = SUP_C * CPS_C * CH_C
E_PAD_C = NS * EPT_C

HALF = 25088
N_PAD = NC * HALF
AGG_ROWS = HALF + 128
DUMP = HALF

HIST_W = 8
HIST_ROWS = N_PAD + 8
DUMP_A = N_PAD
SUP_A = 14

ROWS_PER_TILE = HALF // NS
HB_PER_TILE = N_PAD // NS

WBC = 56
WBA = 392

_mesh = plsc.VectorSubcoreMesh(core_axis_name="c", subcore_axis_name="s")


def _hist_body(dst_hbm, zeros_hbm, ones_hbm, hist_out, dst_v, ldst_v, ones_v,
               zb, hist_sh, ssem):
    cid = lax.axis_index("c")
    sid = lax.axis_index("s")

    pltpu.sync_copy(ones_hbm, ones_v)

    pltpu.sync_copy(zeros_hbm, zb)
    hbase = sid * HB_PER_TILE

    def zrow(j, _):
        pltpu.sync_copy(zb, hist_sh.at[pl.ds(hbase + j * WBA, WBA)])
        return 0
    lax.fori_loop(0, 8, zrow, 0)
    plsc.subcore_barrier()

    ebase = cid * (E_PAD // 2) + sid * (E_PAD // 2 // NS)

    def fire(sb, c):
        pltpu.async_copy(ones_v, hist_sh.at[ldst_v.at[sb, c]], ssem, add=True)

    def drain(sb, c):
        pltpu.make_async_copy(
            ones_v, hist_sh.at[ldst_v.at[sb, c]], ssem).wait()

    def super_body(sup, _):
        sb = sup % 2
        sbase = ebase + sup * (CPS * CHUNK)
        pltpu.sync_copy(dst_hbm.at[pl.ds(sbase, CPS * CHUNK)], dst_v)

        @pl.when(sup >= 2)
        def _():
            def dr(c, _):
                drain(sb, c)
                return 0
            lax.fori_loop(0, CPS, dr, 0)

        def lbody(i, _):
            dv = dst_v[pl.ds(i * 16, 16)]
            ld = jnp.where(dv >= 0, dv, DUMP_A)
            ldst_v[sb, i // 8, pl.ds((i % 8) * 16, 16)] = ld
            return 0
        lax.fori_loop(0, CPS * 8, lbody, 0)

        def fr(c, _):
            fire(sb, c)
            return 0
        lax.fori_loop(0, CPS, fr, 0)
        return 0
    lax.fori_loop(0, SUP_A, super_body, 0)

    def dr_tail(i, _):
        drain((SUP_A - 2 + i // CPS) % 2, i % CPS)
        return 0
    lax.fori_loop(0, 2 * CPS, dr_tail, 0)
    plsc.subcore_barrier()

    def wrow(j, _):
        r = hbase + j * WBA
        pltpu.sync_copy(hist_sh.at[pl.ds(r, WBA)], zb)
        pltpu.sync_copy(zb, hist_out.at[cid, pl.ds(r, WBA)])
        return 0
    lax.fori_loop(0, 8, wrow, 0)


_hist_call = pl.kernel(
    _hist_body,
    out_type=jax.ShapeDtypeStruct((NC, N_PAD, HIST_W), jnp.float32),
    mesh=_mesh,
    compiler_params=pltpu.CompilerParams(use_tc_tiling_on_sc=False),
    scratch_types=[
        pltpu.VMEM((CPS * CHUNK,), jnp.int32),
        pltpu.VMEM((2, CPS, CHUNK), jnp.int32),
        pltpu.VMEM((CHUNK, HIST_W), jnp.float32),
        pltpu.VMEM((WBA, HIST_W), jnp.float32),
        pltpu.VMEM_SHARED((HIST_ROWS, HIST_W), jnp.float32),
        pltpu.SemaphoreType.DMA,
    ],
)


def _agg_body(y_hbm, src_hbm, dst_hbm, zeros_hbm, s_out,
              src_v, dst_v, ldst_v, ybuf, zb, agg_sh, gsem0, gsem1):
    cid = lax.axis_index("c")
    sid = lax.axis_index("s")
    gsems = (gsem0, gsem1)

    pltpu.sync_copy(zeros_hbm, zb)
    rbase = sid * ROWS_PER_TILE

    def zrow(j, _):
        pltpu.sync_copy(zb, agg_sh.at[pl.ds(rbase + j * WBC, WBC)])
        return 0
    lax.fori_loop(0, ROWS_PER_TILE // WBC, zrow, 0)
    plsc.subcore_barrier()

    row_base = cid * HALF
    lane16 = lax.iota(jnp.int32, 16)

    ebase = sid * EPT_C

    def gather_start(c, b):
        idx = src_v.at[pl.ds(c * CH_C, CH_C)]
        pltpu.async_copy(y_hbm.at[idx], ybuf.at[b], gsems[b])

    def gather_wait(c, b):
        idx = src_v.at[pl.ds(c * CH_C, CH_C)]
        pltpu.make_async_copy(y_hbm.at[idx], ybuf.at[b], gsems[b]).wait()

    def super_body(sup, _):
        sbase = ebase + sup * (CPS_C * CH_C)
        pltpu.sync_copy(src_hbm.at[pl.ds(sbase, CPS_C * CH_C)], src_v)
        pltpu.sync_copy(dst_hbm.at[pl.ds(sbase, CPS_C * CH_C)], dst_v)

        gather_start(0, 0)
        gather_start(1, 1)

        def pair_body(p, _):
            for b in range(2):
                c = p * 2 + b

                def lbody(i, _):
                    dv = dst_v[pl.ds(c * CH_C + i * 16, 16)]
                    ld = dv - row_base
                    ok = (ld >= 0) & (ld < HALF)
                    ld = jnp.where(ok, ld, DUMP + (i % 8) * 16 + lane16)
                    ldst_v[pl.ds(i * 16, 16)] = ld
                    return 0
                lax.fori_loop(0, CH_C // 16, lbody, 0)
                gather_wait(c, b)
                pltpu.sync_copy(ybuf.at[b], agg_sh.at[ldst_v], add=True)
                nxt = c + 2

                @pl.when(nxt < CPS_C)
                def _():
                    gather_start(nxt, b)
            return 0
        lax.fori_loop(0, CPS_C // 2, pair_body, 0)
        return 0
    lax.fori_loop(0, SUP_C, super_body, 0)
    plsc.subcore_barrier()

    def wrow(j, _):
        r = rbase + j * WBC
        pltpu.sync_copy(agg_sh.at[pl.ds(r, WBC)], zb)
        pltpu.sync_copy(zb, s_out.at[pl.ds(cid * HALF + r, WBC)])
        return 0
    lax.fori_loop(0, ROWS_PER_TILE // WBC, wrow, 0)


_agg_call = pl.kernel(
    _agg_body,
    out_type=jax.ShapeDtypeStruct((N_PAD, D), jnp.float32),
    mesh=_mesh,
    compiler_params=pltpu.CompilerParams(use_tc_tiling_on_sc=False),
    scratch_types=[
        pltpu.VMEM((CPS_C * CH_C,), jnp.int32),
        pltpu.VMEM((CPS_C * CH_C,), jnp.int32),
        pltpu.VMEM((CH_C,), jnp.int32),
        pltpu.VMEM((2, CH_C, D), jnp.float32),
        pltpu.VMEM((WBC, D), jnp.float32),
        pltpu.VMEM_SHARED((AGG_ROWS, D), jnp.float32),
        pltpu.SemaphoreType.DMA,
        pltpu.SemaphoreType.DMA,
    ],
)


BLK = 3584


def _norm_body(hist_ref, z_ref, y_ref, dinv_ref):
    deg = hist_ref[0, :, 0:1] + hist_ref[1, :, 0:1] + 1.0
    dinv = lax.rsqrt(deg)
    y_ref[...] = dinv * z_ref[...]
    dinv_ref[...] = jnp.broadcast_to(dinv, (BLK, 8))


def _norm_call(hist, z):
    grid = (N_PAD // BLK,)
    return pl.pallas_call(
        _norm_body,
        grid=grid,
        in_specs=[
            pl.BlockSpec((NC, BLK, HIST_W), lambda i: (0, i, 0)),
            pl.BlockSpec((BLK, D), lambda i: (i, 0)),
        ],
        out_specs=[
            pl.BlockSpec((BLK, D), lambda i: (i, 0)),
            pl.BlockSpec((BLK, 8), lambda i: (i, 0)),
        ],
        out_shape=[
            jax.ShapeDtypeStruct((N_PAD, D), jnp.float32),
            jax.ShapeDtypeStruct((N_PAD, 8), jnp.float32),
        ],
    )(hist, z)


def _out_body(s_ref, y_ref, dinv_ref, w_ref, b_ref, o_ref):
    dinv = dinv_ref[:, 0:1]
    agg = dinv * (s_ref[...] + y_ref[...])
    acc = jnp.dot(agg, w_ref[...], preferred_element_type=jnp.float32)
    o_ref[...] = jnp.maximum(acc + b_ref[...], 0.0)


def _out_call(s, y, dinv, W, b2):
    grid = (N_PAD // BLK,)
    return pl.pallas_call(
        _out_body,
        grid=grid,
        in_specs=[
            pl.BlockSpec((BLK, D), lambda i: (i, 0)),
            pl.BlockSpec((BLK, D), lambda i: (i, 0)),
            pl.BlockSpec((BLK, 8), lambda i: (i, 0)),
            pl.BlockSpec((D, D), lambda i: (0, 0)),
            pl.BlockSpec((1, D), lambda i: (0, 0)),
        ],
        out_specs=pl.BlockSpec((BLK, D), lambda i: (i, 0)),
        out_shape=jax.ShapeDtypeStruct((N, D), jnp.float32),
    )(s, y, dinv, W, b2)


@jax.jit
def kernel(z, ei, W, b):
    pad = E_PAD - E
    src_p = jnp.concatenate([ei[0].astype(jnp.int32),
                             jnp.zeros((pad,), jnp.int32)])
    dst_p = jnp.concatenate([ei[1].astype(jnp.int32),
                             jnp.full((pad,), -1, jnp.int32)])

    zeros_a = jnp.zeros((WBA, HIST_W), jnp.float32)
    zeros_c = jnp.zeros((WBC, D), jnp.float32)
    b2 = b.reshape(1, D)

    ones_a = jnp.zeros((CHUNK, HIST_W), jnp.float32).at[:, 0].set(1.0)
    hist = _hist_call(dst_p, zeros_a, ones_a)
    y, dinv = _norm_call(hist, z)
    s = _agg_call(y, src_p, dst_p, zeros_c)
    return _out_call(s, y, dinv, W, b2)

# --- scband reference (transcript-rebuilt; emitter-appended) ---
"""Pipeline reference for scband-struct-dec-44135083933973 (READ-ONLY COPY).

The authoritative reference and input builder live on the scoring server;
editing this copy changes nothing except your own understanding.
"""

import jax, jax.numpy as jnp
import numpy as np

N_NODES = 50000
N_EDGES = 800000
D = 64


def setup_inputs(seed: int = 0) -> dict:
    key = jax.random.key(seed)
    k1, k2, k3, k4 = jax.random.split(key, 4)
    z = jax.random.normal(k1, (N_NODES, D), dtype=jnp.float32)
    ei = jax.random.randint(k2, (2, N_EDGES), 0, N_NODES, dtype=jnp.int64)
    # GCNConv(64, 64) parameters: weight (glorot) and bias (zeros init in PyG,
    # use small random here so backward is nontrivial)
    limit = float(np.sqrt(6.0 / (D + D)))
    W = jax.random.uniform(k3, (D, D), dtype=jnp.float32, minval=-limit, maxval=limit)
    b = jax.random.normal(k4, (D,), dtype=jnp.float32) * 0.01
    return {"z": z, "ei": ei, "W": W, "b": b}


def _gcn_conv(z, ei, W, b):
    N = z.shape[0]
    # add self loops (PyG GCNConv default add_self_loops=True)
    loop = jnp.arange(N, dtype=ei.dtype)
    src = jnp.concatenate([ei[0], loop])
    dst = jnp.concatenate([ei[1], loop])
    # linear transform
    x = z @ W
    # symmetric normalization: deg computed at dst (col) with unit edge weights
    deg = jnp.zeros((N,), dtype=x.dtype).at[dst].add(1.0)
    deg_inv_sqrt = jnp.where(deg > 0, deg ** -0.5, 0.0)
    norm = deg_inv_sqrt[src] * deg_inv_sqrt[dst]
    # gather messages from src, scale, scatter-add to dst
    msgs = x[src] * norm[:, None]
    out = jnp.zeros_like(x).at[dst].add(msgs)
    return out + b


def reference(z, ei, W, b):
    return jax.nn.relu(_gcn_conv(z, ei, W, b))

if __name__ == "__main__":
    import jax
    _d = setup_inputs()
    print(jax.jit(kernel)(*tuple(_d.values())))

</pallas_src>

<mosaic_0001>
#map = affine_map<(d0, d1) -> (0)>
#map1 = affine_map<(d0, d1) -> (0, 0)>
#map2 = affine_map<(d0, d1) -> (0, 0, 0)>
module attributes {stable_mosaic.version = 14 : i64} {
  func.func @_hist_body(%arg0: i32, %arg1: i32, %arg2: memref<802816xi32, #tpu.memory_space<hbm>>, %arg3: memref<392x8xf32, #tpu.memory_space<hbm>>, %arg4: memref<128x8xf32, #tpu.memory_space<hbm>>, %arg5: memref<2x50176x8xf32, #tpu.memory_space<hbm>>, %arg6: memref<1792xi32, #tpu.memory_space<vmem>>, %arg7: memref<2x14x128xi32, #tpu.memory_space<vmem>>, %arg8: memref<128x8xf32, #tpu.memory_space<vmem>>, %arg9: memref<392x8xf32, #tpu.memory_space<vmem>>, %arg10: memref<50184x8xf32, #tpu.memory_space<vmem_shared>>, %arg11: memref<!tpu.dma_semaphore, #tpu.memory_space<semaphore_mem>>) attributes {dimension_semantics = [#tpu.dimension_semantics<core_parallel>, #tpu.dimension_semantics<subcore_parallel>], iteration_bounds = array<i64: 2, 16>, scalar_prefetch = 0 : i64, scratch_operands = 6 : i64, tpu.core_type = #tpu.core_type<sc_vector_subcore>, window_params = [{transform_indices = #map}, {transform_indices = #map1}, {transform_indices = #map1}, {transform_indices = #map2}]} {
    "tpu.region"() ({
      %run_scoped3A = tpu.sem_alloc : memref<!tpu.dma_semaphore, #tpu.memory_space<semaphore_mem>>
      tpu.enqueue_dma source(%arg4 : memref<128x8xf32, #tpu.memory_space<hbm>>) target(%arg8 : memref<128x8xf32, #tpu.memory_space<vmem>>) target_semaphore(%run_scoped3A : memref<!tpu.dma_semaphore, #tpu.memory_space<semaphore_mem>>)
      tpu.wait_dma2 semaphore(%run_scoped3A : memref<!tpu.dma_semaphore, #tpu.memory_space<semaphore_mem>>) src(%arg4 : memref<128x8xf32, #tpu.memory_space<hbm>>) dst(%arg8 : memref<128x8xf32, #tpu.memory_space<vmem>>)
      tpu.yield
    }) : () -> ()
    "tpu.region"() ({
      %run_scoped3A = tpu.sem_alloc : memref<!tpu.dma_semaphore, #tpu.memory_space<semaphore_mem>>
      tpu.enqueue_dma source(%arg3 : memref<392x8xf32, #tpu.memory_space<hbm>>) target(%arg9 : memref<392x8xf32, #tpu.memory_space<vmem>>) target_semaphore(%run_scoped3A : memref<!tpu.dma_semaphore, #tpu.memory_space<semaphore_mem>>)
      tpu.wait_dma2 semaphore(%run_scoped3A : memref<!tpu.dma_semaphore, #tpu.memory_space<semaphore_mem>>) src(%arg3 : memref<392x8xf32, #tpu.memory_space<hbm>>) dst(%arg9 : memref<392x8xf32, #tpu.memory_space<vmem>>)
      tpu.yield
    }) : () -> ()
    %mul3A = arith.constant 3136 : i32
    %mul3A_0 = arith.muli %arg1, %mul3A : i32
    %scan3A = arith.constant 0 : i32
    %scan3A_1 = arith.constant 0 : i32
    %scan3A_2 = arith.constant 8 : i32
    %scan3A_3 = arith.addi %scan3A_1, %scan3A_2 : i32
    %scan3A_4 = arith.constant 1 : i32
    %scan3A_5 = scf.for %scan3A_33 = %scan3A_1 to %scan3A_3 step %scan3A_4 iter_args(%scan3A_34 = %scan3A) -> (i32)  : i32 {
      %mul3A_35 = arith.constant 392 : i32
      %mul3A_36 = arith.muli %scan3A_33, %mul3A_35 : i32
      %add3A_37 = arith.addi %mul3A_0, %mul3A_36 : i32
      "tpu.region"() ({
        %run_scoped3A = tpu.sem_alloc : memref<!tpu.dma_semaphore, #tpu.memory_space<semaphore_mem>>
        %dma_start3A = arith.constant 0 : i32
        %dma_start3A_39 = tpu.memref_slice %arg10[%add3A_37, %dma_start3A] : memref<50184x8xf32, #tpu.memory_space<vmem_shared>> -> memref<392x8xf32, #tpu.memory_space<vmem_shared>>
        %dma_start3A_40 = arith.constant 0 : i32
        %dma_start3A_41 = tpu.memref_slice %arg10[%add3A_37, %dma_start3A_40] : memref<50184x8xf32, #tpu.memory_space<vmem_shared>> -> memref<392x8xf32, #tpu.memory_space<vmem_shared>>
        tpu.enqueue_dma source(%arg9 : memref<392x8xf32, #tpu.memory_space<vmem>>) target(%dma_start3A_41 : memref<392x8xf32, #tpu.memory_space<vmem_shared>>) target_semaphore(%run_scoped3A : memref<!tpu.dma_semaphore, #tpu.memory_space<semaphore_mem>>)
        %dma_wait3A = arith.constant 0 : i32
        %dma_wait3A_42 = tpu.memref_slice %arg10[%add3A_37, %dma_wait3A] : memref<50184x8xf32, #tpu.memory_space<vmem_shared>> -> memref<392x8xf32, #tpu.memory_space<vmem_shared>>
        %dma_wait3A_43 = arith.constant 0 : i32
        %dma_wait3A_44 = tpu.memref_slice %arg10[%add3A_37, %dma_wait3A_43] : memref<50184x8xf32, #tpu.memory_space<vmem_shared>> -> memref<392x8xf32, #tpu.memory_space<vmem_shared>>
        tpu.wait_dma2 semaphore(%run_scoped3A : memref<!tpu.dma_semaphore, #tpu.memory_space<semaphore_mem>>) src(%arg9 : memref<392x8xf32, #tpu.memory_space<vmem>>) dst(%dma_wait3A_44 : memref<392x8xf32, #tpu.memory_space<vmem_shared>>)
        tpu.yield
      }) : () -> ()
      %scan3A_38 = arith.constant 0 : i32
      scf.yield %scan3A_38 : i32
    }
    %scan3A_6 = arith.constant 8 : i32
    %barrier3A = arith.constant 0 : index
    tpu.barrier barrier_id(%barrier3A)
    %mul3A_7 = arith.constant 401408 : i32
    %mul3A_8 = arith.muli %arg0, %mul3A_7 : i32
    %mul3A_9 = arith.constant 25088 : i32
    %mul3A_10 = arith.muli %arg1, %mul3A_9 : i32
    %add3A = arith.addi %mul3A_8, %mul3A_10 : i32
    %scan3A_11 = arith.constant 0 : i32
    %scan3A_12 = arith.constant 0 : i32
    %scan3A_13 = arith.constant 14 : i32
    %scan3A_14 = arith.addi %scan3A_12, %scan3A_13 : i32
    %scan3A_15 = arith.constant 1 : i32
    %scan3A_16 = scf.for %scan3A_33 = %scan3A_12 to %scan3A_14 step %scan3A_15 iter_args(%scan3A_34 = %scan3A_11) -> (i32)  : i32 {
      %jit3A = arith.constant 2 : i32
      %eq3A = arith.constant 0 : i32
      %eq3A_35 = arith.cmpi eq, %jit3A, %eq3A : i32
      %jit3A_36 = arith.constant 1 : i32
      %select_n3A = arith.select %eq3A_35, %jit3A_36, %jit3A : i32
      %rem3A = arith.remsi %scan3A_33, %select_n3A : i32
      %ne3A = arith.constant 0 : i32
      %ne3A_37 = arith.cmpi ne, %rem3A, %ne3A : i32
      %lt3A = arith.constant 0 : i32
      %lt3A_38 = arith.cmpi slt, %rem3A, %lt3A : i32
      %lt3A_39 = arith.constant 0 : i32
      %lt3A_40 = arith.cmpi slt, %select_n3A, %lt3A_39 : i32
      %ne3A_41 = arith.xori %lt3A_38, %lt3A_40 : i1
      %and3A = arith.andi %ne3A_41, %ne3A_37 : i1
      %add3A_42 = arith.addi %rem3A, %select_n3A : i32
      %select_n3A_43 = arith.select %and3A, %add3A_42, %rem3A : i32
      %mul3A_44 = arith.constant 1792 : i32
      %mul3A_45 = arith.muli %scan3A_33, %mul3A_44 : i32
      %add3A_46 = arith.addi %add3A, %mul3A_45 : i32
      "tpu.region"() ({
        %run_scoped3A = tpu.sem_alloc : memref<!tpu.dma_semaphore, #tpu.memory_space<semaphore_mem>>
        %dma_start3A = tpu.memref_slice %arg2[%add3A_46] : memref<802816xi32, #tpu.memory_space<hbm>> -> memref<1792xi32, #tpu.memory_space<hbm>>
        %dma_start3A_64 = tpu.memref_slice %arg2[%add3A_46] : memref<802816xi32, #tpu.memory_space<hbm>> -> memref<1792xi32, #tpu.memory_space<hbm>>
        tpu.enqueue_dma source(%dma_start3A_64 : memref<1792xi32, #tpu.memory_space<hbm>>) target(%arg6 : memref<1792xi32, #tpu.memory_space<vmem>>) target_semaphore(%run_scoped3A : memref<!tpu.dma_semaphore, #tpu.memory_space<semaphore_mem>>)
        %dma_wait3A = tpu.memref_slice %arg2[%add3A_46] : memref<802816xi32, #tpu.memory_space<hbm>> -> memref<1792xi32, #tpu.memory_space<hbm>>
        %dma_wait3A_65 = tpu.memref_slice %arg2[%add3A_46] : memref<802816xi32, #tpu.memory_space<hbm>> -> memref<1792xi32, #tpu.memory_space<hbm>>
        tpu.wait_dma2 semaphore(%run_scoped3A : memref<!tpu.dma_semaphore, #tpu.memory_space<semaphore_mem>>) src(%dma_wait3A_65 : memref<1792xi32, #tpu.memory_space<hbm>>) dst(%arg6 : memref<1792xi32, #tpu.memory_space<vmem>>)
        tpu.yield
      }) : () -> ()
      %ge3A = arith.constant 2 : i32
      %ge3A_47 = arith.cmpi sge, %scan3A_33, %ge3A : i32
      %convert_element_type3A = arith.extui %ge3A_47 : i1 to i32
      %cond3A = arith.constant 0 : i32
      %cond3A_48 = arith.cmpi ne, %convert_element_type3A, %cond3A : i32
      scf.if %cond3A_48 {
        %scan3A_64 = arith.constant 0 : i32
        %scan3A_65 = arith.constant 0 : i32
        %scan3A_66 = arith.constant 14 : i32
        %scan3A_67 = arith.addi %scan3A_65, %scan3A_66 : i32
        %scan3A_68 = arith.constant 1 : i32
        %scan3A_69 = scf.for %scan3A_71 = %scan3A_65 to %scan3A_67 step %scan3A_68 iter_args(%scan3A_72 = %scan3A_64) -> (i32)  : i32 {
          %dma_wait3A = arith.constant 0 : i32
          %dma_wait3A_73 = tpu.memref_slice %arg7[%select_n3A_43, %scan3A_71, %dma_wait3A] : memref<2x14x128xi32, #tpu.memory_space<vmem>> -> memref<1x1x128xi32, #tpu.memory_space<vmem>>
          %dma_wait3A_74 = tpu.memref_squeeze %dma_wait3A_73 : memref<1x1x128xi32, #tpu.memory_space<vmem>> -> memref<128xi32, #tpu.memory_space<vmem>>
          %dma_wait3A_75 = arith.constant 0 : i32
          %dma_wait3A_76 = arith.constant 0 : i32
          %dma_wait3A_77 = tpu.memref_slice %arg10[%dma_wait3A_75, %dma_wait3A_76] : memref<50184x8xf32, #tpu.memory_space<vmem_shared>> -> memref<50184x8xf32, #tpu.memory_space<vmem_shared>>
          tpu.wait_indirect_dma semaphore(%arg11 : memref<!tpu.dma_semaphore, #tpu.memory_space<semaphore_mem>>) src(%arg8 : memref<128x8xf32, #tpu.memory_space<vmem>>) dst(%dma_wait3A_77 : memref<50184x8xf32, #tpu.memory_space<vmem_shared>>)
          %scan3A_78 = arith.constant 0 : i32
          scf.yield %scan3A_78 : i32
        }
        %scan3A_70 = arith.constant 14 : i32
      } else {
      }
      %scan3A_49 = arith.constant 0 : i32
      %scan3A_50 = arith.constant 0 : i32
      %scan3A_51 = arith.constant 112 : i32
      %scan3A_52 = arith.addi %scan3A_50, %scan3A_51 : i32
      %scan3A_53 = arith.constant 1 : i32
      %scan3A_54 = scf.for %scan3A_64 = %scan3A_50 to %scan3A_52 step %scan3A_53 iter_args(%scan3A_65 = %scan3A_49) -> (i32)  : i32 {
        %mul3A_66 = arith.constant 16 : i32
        %mul3A_67 = arith.muli %scan3A_64, %mul3A_66 : i32
        %get3A = arith.index_cast %mul3A_67 : i32 to index
        %get3A_68 = tpu.vector_load %arg6[%get3A] {strides = array<i32>} : memref<1792xi32, #tpu.memory_space<vmem>>, vector<16xi32>,
        %get3A_69 = vector.shape_cast %get3A_68 : vector<16xi32> to vector<16xi32>
        %ge3A_70 = arith.constant 0 : i32
        %ge3A_71 = vector.broadcast %ge3A_70 : i32 to vector<16xi32>
        %ge3A_72 = arith.cmpi sge, %get3A_69, %ge3A_71 : vector<16xi32>
        %jit3A_73 = arith.constant 50176 : i32
        %broadcast_in_dim3A = vector.broadcast %jit3A_73 : i32 to vector<16xi32>
        %select_n3A_74 = arith.select %ge3A_72, %get3A_69, %broadcast_in_dim3A : vector<16xi1>, vector<16xi32>
        %jit3A_75 = arith.constant 8 : i32
        %div3A = arith.divsi %scan3A_64, %jit3A_75 : i32
        %sign3A = arith.constant 0 : i32
        %sign3A_76 = arith.cmpi sgt, %scan3A_64, %sign3A : i32
        %sign3A_77 = arith.extui %sign3A_76 : i1 to i32
        %sign3A_78 = arith.constant 0 : i32
        %sign3A_79 = arith.cmpi slt, %scan3A_64, %sign3A_78 : i32
        %sign3A_80 = arith.extui %sign3A_79 : i1 to i32
        %sign3A_81 = arith.subi %sign3A_77, %sign3A_80 : i32
        %sign3A_82 = arith.constant 0 : i32
        %sign3A_83 = arith.cmpi sgt, %jit3A_75, %sign3A_82 : i32
        %sign3A_84 = arith.extui %sign3A_83 : i1 to i32
        %sign3A_85 = arith.constant 0 : i32
        %sign3A_86 = arith.cmpi slt, %jit3A_75, %sign3A_85 : i32
        %sign3A_87 = arith.extui %sign3A_86 : i1 to i32
        %sign3A_88 = arith.subi %sign3A_84, %sign3A_87 : i32
        %ne3A_89 = arith.cmpi ne, %sign3A_81, %sign3A_88 : i32
        %rem3A_90 = arith.remsi %scan3A_64, %jit3A_75 : i32
        %ne3A_91 = arith.constant 0 : i32
        %ne3A_92 = arith.cmpi ne, %rem3A_90, %ne3A_91 : i32
        %and3A_93 = arith.andi %ne3A_89, %ne3A_92 : i1
        %sub3A = arith.constant 1 : i32
        %sub3A_94 = arith.subi %div3A, %sub3A : i32
        %select_n3A_95 = arith.select %and3A_93, %sub3A_94, %div3A : i32
        %jit3A_96 = arith.constant 8 : i32
        %eq3A_97 = arith.constant 0 : i32
        %eq3A_98 = arith.cmpi eq, %jit3A_96, %eq3A_97 : i32
        %jit3A_99 = arith.constant 1 : i32
        %select_n3A_100 = arith.select %eq3A_98, %jit3A_99, %jit3A_96 : i32
        %rem3A_101 = arith.remsi %scan3A_64, %select_n3A_100 : i32
        %ne3A_102 = arith.constant 0 : i32
        %ne3A_103 = arith.cmpi ne, %rem3A_101, %ne3A_102 : i32
        %lt3A_104 = arith.constant 0 : i32
        %lt3A_105 = arith.cmpi slt, %rem3A_101, %lt3A_104 : i32
        %lt3A_106 = arith.constant 0 : i32
        %lt3A_107 = arith.cmpi slt, %select_n3A_100, %lt3A_106 : i32
        %ne3A_108 = arith.xori %lt3A_105, %lt3A_107 : i1
        %and3A_109 = arith.andi %ne3A_108, %ne3A_103 : i1
        %add3A_110 = arith.addi %rem3A_101, %select_n3A_100 : i32
        %select_n3A_111 = arith.select %and3A_109, %add3A_110, %rem3A_101 : i32
        %mul3A_112 = arith.constant 16 : i32
        %mul3A_113 = arith.muli %select_n3A_111, %mul3A_112 : i32
        %swap3A = arith.index_cast %select_n3A_43 : i32 to index
        %swap3A_114 = arith.index_cast %select_n3A_95 : i32 to index
        %swap3A_115 = arith.index_cast %mul3A_113 : i32 to index
        %swap3A_116 = tpu.vector_load %arg7[%swap3A, %swap3A_114, %swap3A_115] {strides = array<i32>} : memref<2x14x128xi32, #tpu.memory_space<vmem>>, vector<1x1x16xi32>,
        %swap3A_117 = vector.shape_cast %swap3A_116 : vector<1x1x16xi32> to vector<16xi32>
        %swap3A_118 = vector.shape_cast %select_n3A_74 : vector<16xi32> to vector<1x1x16xi32>
        tpu.vector_store %arg7[%swap3A, %swap3A_114, %swap3A_115], %swap3A_118 {strides = array<i32>} : memref<2x14x128xi32, #tpu.memory_space<vmem>>, vector<1x1x16xi32>,
        %scan3A_119 = arith.constant 0 : i32
        scf.yield %scan3A_119 : i32
      }
      %scan3A_55 = arith.constant 112 : i32
      %scan3A_56 = arith.constant 0 : i32
      %scan3A_57 = arith.constant 0 : i32
      %scan3A_58 = arith.constant 14 : i32
      %scan3A_59 = arith.addi %scan3A_57, %scan3A_58 : i32
      %scan3A_60 = arith.constant 1 : i32
      %scan3A_61 = scf.for %scan3A_64 = %scan3A_57 to %scan3A_59 step %scan3A_60 iter_args(%scan3A_65 = %scan3A_56) -> (i32)  : i32 {
        %dma_start3A = arith.constant 0 : i32
        %dma_start3A_66 = tpu.memref_slice %arg7[%select_n3A_43, %scan3A_64, %dma_start3A] : memref<2x14x128xi32, #tpu.memory_space<vmem>> -> memref<1x1x128xi32, #tpu.memory_space<vmem>>
        %dma_start3A_67 = tpu.memref_squeeze %dma_start3A_66 : memref<1x1x128xi32, #tpu.memory_space<vmem>> -> memref<128xi32, #tpu.memory_space<vmem>>
        %dma_start3A_68 = arith.constant 0 : i32
        %dma_start3A_69 = arith.constant 0 : i32
        %dma_start3A_70 = tpu.memref_slice %arg10[%dma_start3A_68, %dma_start3A_69] : memref<50184x8xf32, #tpu.memory_space<vmem_shared>> -> memref<50184x8xf32, #tpu.memory_space<vmem_shared>>
        tpu.enqueue_indirect_dma source(%arg8 : memref<128x8xf32, #tpu.memory_space<vmem>>) target(%dma_start3A_70 : memref<50184x8xf32, #tpu.memory_space<vmem_shared>>) offsets(%dma_start3A_67 : memref<128xi32, #tpu.memory_space<vmem>>) semaphore(%arg11 : memref<!tpu.dma_semaphore, #tpu.memory_space<semaphore_mem>>) {add = true}
        %scan3A_71 = arith.constant 0 : i32
        scf.yield %scan3A_71 : i32
      }
      %scan3A_62 = arith.constant 14 : i32
      %scan3A_63 = arith.constant 0 : i32
      scf.yield %scan3A_63 : i32
    }
    %scan3A_17 = arith.constant 14 : i32
    %scan3A_18 = arith.constant 0 : i32
    %scan3A_19 = arith.constant 0 : i32
    %scan3A_20 = arith.constant 28 : i32
    %scan3A_21 = arith.addi %scan3A_19, %scan3A_20 : i32
    %scan3A_22 = arith.constant 1 : i32
    %scan3A_23 = scf.for %scan3A_33 = %scan3A_19 to %scan3A_21 step %scan3A_22 iter_args(%scan3A_34 = %scan3A_18) -> (i32)  : i32 {
      %jit3A = arith.constant 14 : i32
      %div3A = arith.divsi %scan3A_33, %jit3A : i32
      %sign3A = arith.constant 0 : i32
      %sign3A_35 = arith.cmpi sgt, %scan3A_33, %sign3A : i32
      %sign3A_36 = arith.extui %sign3A_35 : i1 to i32
      %sign3A_37 = arith.constant 0 : i32
      %sign3A_38 = arith.cmpi slt, %scan3A_33, %sign3A_37 : i32
      %sign3A_39 = arith.extui %sign3A_38 : i1 to i32
      %sign3A_40 = arith.subi %sign3A_36, %sign3A_39 : i32
      %sign3A_41 = arith.constant 0 : i32
      %sign3A_42 = arith.cmpi sgt, %jit3A, %sign3A_41 : i32
      %sign3A_43 = arith.extui %sign3A_42 : i1 to i32
      %sign3A_44 = arith.constant 0 : i32
      %sign3A_45 = arith.cmpi slt, %jit3A, %sign3A_44 : i32
      %sign3A_46 = arith.extui %sign3A_45 : i1 to i32
      %sign3A_47 = arith.subi %sign3A_43, %sign3A_46 : i32
      %ne3A = arith.cmpi ne, %sign3A_40, %sign3A_47 : i32
      %rem3A = arith.remsi %scan3A_33, %jit3A : i32
      %ne3A_48 = arith.constant 0 : i32
      %ne3A_49 = arith.cmpi ne, %rem3A, %ne3A_48 : i32
      %and3A = arith.andi %ne3A, %ne3A_49 : i1
      %sub3A = arith.constant 1 : i32
      %sub3A_50 = arith.subi %div3A, %sub3A : i32
      %select_n3A = arith.select %and3A, %sub3A_50, %div3A : i32
      %add3A_51 = arith.constant 12 : i32
      %add3A_52 = arith.addi %add3A_51, %select_n3A : i32
      %jit3A_53 = arith.constant 2 : i32
      %eq3A = arith.constant 0 : i32
      %eq3A_54 = arith.cmpi eq, %jit3A_53, %eq3A : i32
      %jit3A_55 = arith.constant 1 : i32
      %select_n3A_56 = arith.select %eq3A_54, %jit3A_55, %jit3A_53 : i32
      %rem3A_57 = arith.remsi %add3A_52, %select_n3A_56 : i32
      %ne3A_58 = arith.constant 0 : i32
      %ne3A_59 = arith.cmpi ne, %rem3A_57, %ne3A_58 : i32
      %lt3A = arith.constant 0 : i32
      %lt3A_60 = arith.cmpi slt, %rem3A_57, %lt3A : i32
      %lt3A_61 = arith.constant 0 : i32
      %lt3A_62 = arith.cmpi slt, %select_n3A_56, %lt3A_61 : i32
      %ne3A_63 = arith.xori %lt3A_60, %lt3A_62 : i1
      %and3A_64 = arith.andi %ne3A_63, %ne3A_59 : i1
      %add3A_65 = arith.addi %rem3A_57, %select_n3A_56 : i32
      %select_n3A_66 = arith.select %and3A_64, %add3A_65, %rem3A_57 : i32
      %jit3A_67 = arith.constant 14 : i32
      %eq3A_68 = arith.constant 0 : i32
      %eq3A_69 = arith.cmpi eq, %jit3A_67, %eq3A_68 : i32
      %jit3A_70 = arith.constant 1 : i32
      %select_n3A_71 = arith.select %eq3A_69, %jit3A_70, %jit3A_67 : i32
      %rem3A_72 = arith.remsi %scan3A_33, %select_n3A_71 : i32
      %ne3A_73 = arith.constant 0 : i32
      %ne3A_74 = arith.cmpi ne, %rem3A_72, %ne3A_73 : i32
      %lt3A_75 = arith.constant 0 : i32
      %lt3A_76 = arith.cmpi slt, %rem3A_72, %lt3A_75 : i32
      %lt3A_77 = arith.constant 0 : i32
      %lt3A_78 = arith.cmpi slt, %select_n3A_71, %lt3A_77 : i32
      %ne3A_79 = arith.xori %lt3A_76, %lt3A_78 : i1
      %and3A_80 = arith.andi %ne3A_79, %ne3A_74 : i1
      %add3A_81 = arith.addi %rem3A_72, %select_n3A_71 : i32
      %select_n3A_82 = arith.select %and3A_80, %add3A_81, %rem3A_72 : i32
      %dma_wait3A = arith.constant 0 : i32
      %dma_wait3A_83 = tpu.memref_slice %arg7[%select_n3A_66, %select_n3A_82, %dma_wait3A] : memref<2x14x128xi32, #tpu.memory_space<vmem>> -> memref<1x1x128xi32, #tpu.memory_space<vmem>>
      %dma_wait3A_84 = tpu.memref_squeeze %dma_wait3A_83 : memref<1x1x128xi32, #tpu.memory_space<vmem>> -> memref<128xi32, #tpu.memory_space<vmem>>
      %dma_wait3A_85 = arith.constant 0 : i32
      %dma_wait3A_86 = arith.constant 0 : i32
      %dma_wait3A_87 = tpu.memref_slice %arg10[%dma_wait3A_85, %dma_wait3A_86] : memref<50184x8xf32, #tpu.memory_space<vmem_shared>> -> memref<50184x8xf32, #tpu.memory_space<vmem_shared>>
      tpu.wait_indirect_dma semaphore(%arg11 : memref<!tpu.dma_semaphore, #tpu.memory_space<semaphore_mem>>) src(%arg8 : memref<128x8xf32, #tpu.memory_space<vmem>>) dst(%dma_wait3A_87 : memref<50184x8xf32, #tpu.memory_space<vmem_shared>>)
      %scan3A_88 = arith.constant 0 : i32
      scf.yield %scan3A_88 : i32
    }
    %scan3A_24 = arith.constant 28 : i32
    %barrier3A_25 = arith.constant 0 : index
    tpu.barrier barrier_id(%barrier3A_25)
    %scan3A_26 = arith.constant 0 : i32
    %scan3A_27 = arith.constant 0 : i32
    %scan3A_28 = arith.constant 8 : i32
    %scan3A_29 = arith.addi %scan3A_27, %scan3A_28 : i32
    %scan3A_30 = arith.constant 1 : i32
    %scan3A_31 = scf.for %scan3A_33 = %scan3A_27 to %scan3A_29 step %scan3A_30 iter_args(%scan3A_34 = %scan3A_26) -> (i32)  : i32 {
      %mul3A_35 = arith.constant 392 : i32
      %mul3A_36 = arith.muli %scan3A_33, %mul3A_35 : i32
      %add3A_37 = arith.addi %mul3A_0, %mul3A_36 : i32
      "tpu.region"() ({
        %run_scoped3A = tpu.sem_alloc : memref<!tpu.dma_semaphore, #tpu.memory_space<semaphore_mem>>
        %dma_start3A = arith.constant 0 : i32
        %dma_start3A_39 = tpu.memref_slice %arg10[%add3A_37, %dma_start3A] : memref<50184x8xf32, #tpu.memory_space<vmem_shared>> -> memref<392x8xf32, #tpu.memory_space<vmem_shared>>
        %dma_start3A_40 = arith.constant 0 : i32
        %dma_start3A_41 = tpu.memref_slice %arg10[%add3A_37, %dma_start3A_40] : memref<50184x8xf32, #tpu.memory_space<vmem_shared>> -> memref<392x8xf32, #tpu.memory_space<vmem_shared>>
        tpu.enqueue_dma source(%dma_start3A_41 : memref<392x8xf32, #tpu.memory_space<vmem_shared>>) target(%arg9 : memref<392x8xf32, #tpu.memory_space<vmem>>) target_semaphore(%run_scoped3A : memref<!tpu.dma_semaphore, #tpu.memory_space<semaphore_mem>>)
        %dma_wait3A = arith.constant 0 : i32
        %dma_wait3A_42 = tpu.memref_slice %arg10[%add3A_37, %dma_wait3A] : memref<50184x8xf32, #tpu.memory_space<vmem_shared>> -> memref<392x8xf32, #tpu.memory_space<vmem_shared>>
        %dma_wait3A_43 = arith.constant 0 : i32
        %dma_wait3A_44 = tpu.memref_slice %arg10[%add3A_37, %dma_wait3A_43] : memref<50184x8xf32, #tpu.memory_space<vmem_shared>> -> memref<392x8xf32, #tpu.memory_space<vmem_shared>>
        tpu.wait_dma2 semaphore(%run_scoped3A : memref<!tpu.dma_semaphore, #tpu.memory_space<semaphore_mem>>) src(%dma_wait3A_44 : memref<392x8xf32, #tpu.memory_space<vmem_shared>>) dst(%arg9 : memref<392x8xf32, #tpu.memory_space<vmem>>)
        tpu.yield
      }) : () -> ()
      "tpu.region"() ({
        %run_scoped3A = tpu.sem_alloc : memref<!tpu.dma_semaphore, #tpu.memory_space<semaphore_mem>>
        %dma_start3A = arith.constant 0 : i32
        %dma_start3A_39 = tpu.memref_slice %arg5[%arg0, %add3A_37, %dma_start3A] : memref<2x50176x8xf32, #tpu.memory_space<hbm>> -> memref<1x392x8xf32, #tpu.memory_space<hbm>>
        %dma_start3A_40 = tpu.memref_squeeze %dma_start3A_39 : memref<1x392x8xf32, #tpu.memory_space<hbm>> -> memref<392x8xf32, #tpu.memory_space<hbm>>
        %dma_start3A_41 = arith.constant 0 : i32
        %dma_start3A_42 = tpu.memref_slice %arg5[%arg0, %add3A_37, %dma_start3A_41] : memref<2x50176x8xf32, #tpu.memory_space<hbm>> -> memref<1x392x8xf32, #tpu.memory_space<hbm>>
        %dma_start3A_43 = tpu.memref_squeeze %dma_start3A_42 : memref<1x392x8xf32, #tpu.memory_space<hbm>> -> memref<392x8xf32, #tpu.memory_space<hbm>>
        tpu.enqueue_dma source(%arg9 : memref<392x8xf32, #tpu.memory_space<vmem>>) target(%dma_start3A_43 : memref<392x8xf32, #tpu.memory_space<hbm>>) target_semaphore(%run_scoped3A : memref<!tpu.dma_semaphore, #tpu.memory_space<semaphore_mem>>)
        %dma_wait3A = arith.constant 0 : i32
        %dma_wait3A_44 = tpu.memref_slice %arg5[%arg0, %add3A_37, %dma_wait3A] : memref<2x50176x8xf32, #tpu.memory_space<hbm>> -> memref<1x392x8xf32, #tpu.memory_space<hbm>>
        %dma_wait3A_45 = tpu.memref_squeeze %dma_wait3A_44 : memref<1x392x8xf32, #tpu.memory_space<hbm>> -> memref<392x8xf32, #tpu.memory_space<hbm>>
        %dma_wait3A_46 = arith.constant 0 : i32
        %dma_wait3A_47 = tpu.memref_slice %arg5[%arg0, %add3A_37, %dma_wait3A_46] : memref<2x50176x8xf32, #tpu.memory_space<hbm>> -> memref<1x392x8xf32, #tpu.memory_space<hbm>>
        %dma_wait3A_48 = tpu.memref_squeeze %dma_wait3A_47 : memref<1x392x8xf32, #tpu.memory_space<hbm>> -> memref<392x8xf32, #tpu.memory_space<hbm>>
        tpu.wait_dma2 semaphore(%run_scoped3A : memref<!tpu.dma_semaphore, #tpu.memory_space<semaphore_mem>>) src(%arg9 : memref<392x8xf32, #tpu.memory_space<vmem>>) dst(%dma_wait3A_48 : memref<392x8xf32, #tpu.memory_space<hbm>>)
        tpu.yield
      }) : () -> ()
      %scan3A_38 = arith.constant 0 : i32
      scf.yield %scan3A_38 : i32
    }
    %scan3A_32 = arith.constant 8 : i32
    return
  }
}

#map = affine_map<(d0, d1) -> (0, 0)>
#map1 = affine_map<(d0, d1) -> (0)>
module attributes {stable_mosaic.version = 14 : i64} {
  func.func @_agg_body(%arg0: i32, %arg1: i32, %arg2: memref<50176x64xf32, #tpu.memory_space<hbm>>, %arg3: memref<802816xi32, #tpu.memory_space<hbm>>, %arg4: memref<802816xi32, #tpu.memory_space<hbm>>, %arg5: memref<56x64xf32, #tpu.memory_space<hbm>>, %arg6: memref<50176x64xf32, #tpu.memory_space<hbm>>, %arg7: memref<1792xi32, #tpu.memory_space<vmem>>, %arg8: memref<1792xi32, #tpu.memory_space<vmem>>, %arg9: memref<128xi32, #tpu.memory_space<vmem>>, %arg10: memref<2x128x64xf32, #tpu.memory_space<vmem>>, %arg11: memref<56x64xf32, #tpu.memory_space<vmem>>, %arg12: memref<25216x64xf32, #tpu.memory_space<vmem_shared>>, %arg13: memref<!tpu.dma_semaphore, #tpu.memory_space<semaphore_mem>>, %arg14: memref<!tpu.dma_semaphore, #tpu.memory_space<semaphore_mem>>) attributes {dimension_semantics = [#tpu.dimension_semantics<core_parallel>, #tpu.dimension_semantics<subcore_parallel>], iteration_bounds = array<i64: 2, 16>, scalar_prefetch = 0 : i64, scratch_operands = 8 : i64, tpu.core_type = #tpu.core_type<sc_vector_subcore>, window_params = [{transform_indices = #map}, {transform_indices = #map1}, {transform_indices = #map1}, {transform_indices = #map}, {transform_indices = #map}]} {
    "tpu.region"() ({
      %run_scoped3A = tpu.sem_alloc : memref<!tpu.dma_semaphore, #tpu.memory_space<semaphore_mem>>
      tpu.enqueue_dma source(%arg5 : memref<56x64xf32, #tpu.memory_space<hbm>>) target(%arg11 : memref<56x64xf32, #tpu.memory_space<vmem>>) target_semaphore(%run_scoped3A : memref<!tpu.dma_semaphore, #tpu.memory_space<semaphore_mem>>)
      tpu.wait_dma2 semaphore(%run_scoped3A : memref<!tpu.dma_semaphore, #tpu.memory_space<semaphore_mem>>) src(%arg5 : memref<56x64xf32, #tpu.memory_space<hbm>>) dst(%arg11 : memref<56x64xf32, #tpu.memory_space<vmem>>)
      tpu.yield
    }) : () -> ()
    %mul3A = arith.constant 1568 : i32
    %mul3A_0 = arith.muli %arg1, %mul3A : i32
    %scan3A = arith.constant 0 : i32
    %scan3A_1 = arith.constant 0 : i32
    %scan3A_2 = arith.constant 28 : i32
    %scan3A_3 = arith.addi %scan3A_1, %scan3A_2 : i32
    %scan3A_4 = arith.constant 1 : i32
    %scan3A_5 = scf.for %scan3A_26 = %scan3A_1 to %scan3A_3 step %scan3A_4 iter_args(%scan3A_27 = %scan3A) -> (i32)  : i32 {
      %mul3A_28 = arith.constant 56 : i32
      %mul3A_29 = arith.muli %scan3A_26, %mul3A_28 : i32
      %add3A = arith.addi %mul3A_0, %mul3A_29 : i32
      "tpu.region"() ({
        %run_scoped3A = tpu.sem_alloc : memref<!tpu.dma_semaphore, #tpu.memory_space<semaphore_mem>>
        %dma_start3A = arith.constant 0 : i32
        %dma_start3A_31 = tpu.memref_slice %arg12[%add3A, %dma_start3A] : memref<25216x64xf32, #tpu.memory_space<vmem_shared>> -> memref<56x64xf32, #tpu.memory_space<vmem_shared>>
        %dma_start3A_32 = arith.constant 0 : i32
        %dma_start3A_33 = tpu.memref_slice %arg12[%add3A, %dma_start3A_32] : memref<25216x64xf32, #tpu.memory_space<vmem_shared>> -> memref<56x64xf32, #tpu.memory_space<vmem_shared>>
        tpu.enqueue_dma source(%arg11 : memref<56x64xf32, #tpu.memory_space<vmem>>) target(%dma_start3A_33 : memref<56x64xf32, #tpu.memory_space<vmem_shared>>) target_semaphore(%run_scoped3A : memref<!tpu.dma_semaphore, #tpu.memory_space<semaphore_mem>>)
        %dma_wait3A = arith.constant 0 : i32
        %dma_wait3A_34 = tpu.memref_slice %arg12[%add3A, %dma_wait3A] : memref<25216x64xf32, #tpu.memory_space<vmem_shared>> -> memref<56x64xf32, #tpu.memory_space<vmem_shared>>
        %dma_wait3A_35 = arith.constant 0 : i32
        %dma_wait3A_36 = tpu.memref_slice %arg12[%add3A, %dma_wait3A_35] : memref<25216x64xf32, #tpu.memory_space<vmem_shared>> -> memref<56x64xf32, #tpu.memory_space<vmem_shared>>
        tpu.wait_dma2 semaphore(%run_scoped3A : memref<!tpu.dma_semaphore, #tpu.memory_space<semaphore_mem>>) src(%arg11 : memref<56x64xf32, #tpu.memory_space<vmem>>) dst(%dma_wait3A_36 : memref<56x64xf32, #tpu.memory_space<vmem_shared>>)
        tpu.yield
      }) : () -> ()
      %scan3A_30 = arith.constant 0 : i32
      scf.yield %scan3A_30 : i32
    }
    %scan3A_6 = arith.constant 28 : i32
    %barrier3A = arith.constant 0 : index
    tpu.barrier barrier_id(%barrier3A)
    %mul3A_7 = arith.constant 25088 : i32
    %mul3A_8 = arith.muli %arg0, %mul3A_7 : i32
    %iota3A = tpu.iota {dimensions = array<i32: 0>} : vector<16xi32>
    %mul3A_9 = arith.constant 50176 : i32
    %mul3A_10 = arith.muli %arg1, %mul3A_9 : i32
    %scan3A_11 = arith.constant 0 : i32
    %scan3A_12 = arith.constant 0 : i32
    %scan3A_13 = arith.constant 28 : i32
    %scan3A_14 = arith.addi %scan3A_12, %scan3A_13 : i32
    %scan3A_15 = arith.constant 1 : i32
    %scan3A_16 = scf.for %scan3A_26 = %scan3A_12 to %scan3A_14 step %scan3A_15 iter_args(%scan3A_27 = %scan3A_11) -> (i32)  : i32 {
      %mul3A_28 = arith.constant 1792 : i32
      %mul3A_29 = arith.muli %scan3A_26, %mul3A_28 : i32
      %add3A = arith.addi %mul3A_10, %mul3A_29 : i32
      "tpu.region"() ({
        %run_scoped3A = tpu.sem_alloc : memref<!tpu.dma_semaphore, #tpu.memory_space<semaphore_mem>>
        %dma_start3A_57 = tpu.memref_slice %arg3[%add3A] : memref<802816xi32, #tpu.memory_space<hbm>> -> memref<1792xi32, #tpu.memory_space<hbm>>
        %dma_start3A_58 = tpu.memref_slice %arg3[%add3A] : memref<802816xi32, #tpu.memory_space<hbm>> -> memref<1792xi32, #tpu.memory_space<hbm>>
        tpu.enqueue_dma source(%dma_start3A_58 : memref<1792xi32, #tpu.memory_space<hbm>>) target(%arg7 : memref<1792xi32, #tpu.memory_space<vmem>>) target_semaphore(%run_scoped3A : memref<!tpu.dma_semaphore, #tpu.memory_space<semaphore_mem>>)
        %dma_wait3A = tpu.memref_slice %arg3[%add3A] : memref<802816xi32, #tpu.memory_space<hbm>> -> memref<1792xi32, #tpu.memory_space<hbm>>
        %dma_wait3A_59 = tpu.memref_slice %arg3[%add3A] : memref<802816xi32, #tpu.memory_space<hbm>> -> memref<1792xi32, #tpu.memory_space<hbm>>
        tpu.wait_dma2 semaphore(%run_scoped3A : memref<!tpu.dma_semaphore, #tpu.memory_space<semaphore_mem>>) src(%dma_wait3A_59 : memref<1792xi32, #tpu.memory_space<hbm>>) dst(%arg7 : memref<1792xi32, #tpu.memory_space<vmem>>)
        tpu.yield
      }) : () -> ()
      "tpu.region"() ({
        %run_scoped3A = tpu.sem_alloc : memref<!tpu.dma_semaphore, #tpu.memory_space<semaphore_mem>>
        %dma_start3A_57 = tpu.memref_slice %arg4[%add3A] : memref<802816xi32, #tpu.memory_space<hbm>> -> memref<1792xi32, #tpu.memory_space<hbm>>
        %dma_start3A_58 = tpu.memref_slice %arg4[%add3A] : memref<802816xi32, #tpu.memory_space<hbm>> -> memref<1792xi32, #tpu.memory_space<hbm>>
        tpu.enqueue_dma source(%dma_start3A_58 : memref<1792xi32, #tpu.memory_space<hbm>>) target(%arg8 : memref<1792xi32, #tpu.memory_space<vmem>>) target_semaphore(%run_scoped3A : memref<!tpu.dma_semaphore, #tpu.memory_space<semaphore_mem>>)
        %dma_wait3A = tpu.memref_slice %arg4[%add3A] : memref<802816xi32, #tpu.memory_space<hbm>> -> memref<1792xi32, #tpu.memory_space<hbm>>
        %dma_wait3A_59 = tpu.memref_slice %arg4[%add3A] : memref<802816xi32, #tpu.memory_space<hbm>> -> memref<1792xi32, #tpu.memory_space<hbm>>
        tpu.wait_dma2 semaphore(%run_scoped3A : memref<!tpu.dma_semaphore, #tpu.memory_space<semaphore_mem>>) src(%dma_wait3A_59 : memref<1792xi32, #tpu.memory_space<hbm>>) dst(%arg8 : memref<1792xi32, #tpu.memory_space<vmem>>)
        tpu.yield
      }) : () -> ()
      %dma_start3A = arith.constant 0 : i32
      %dma_start3A_30 = arith.constant 0 : i32
      %dma_start3A_31 = arith.constant 0 : i32
      %dma_start3A_32 = tpu.memref_slice %arg10[%dma_start3A, %dma_start3A_30, %dma_start3A_31] : memref<2x128x64xf32, #tpu.memory_space<vmem>> -> memref<1x128x64xf32, #tpu.memory_space<vmem>>
      %dma_start3A_33 = tpu.memref_squeeze %dma_start3A_32 : memref<1x128x64xf32, #tpu.memory_space<vmem>> -> memref<128x64xf32, #tpu.memory_space<vmem>>
      %dma_start3A_34 = arith.constant 0 : i32
      %dma_start3A_35 = tpu.memref_slice %arg7[%dma_start3A_34] : memref<1792xi32, #tpu.memory_space<vmem>> -> memref<128xi32, #tpu.memory_space<vmem>>
      %dma_start3A_36 = arith.constant 0 : i32
      %dma_start3A_37 = arith.constant 0 : i32
      %dma_start3A_38 = tpu.memref_slice %arg2[%dma_start3A_36, %dma_start3A_37] : memref<50176x64xf32, #tpu.memory_space<hbm>> -> memref<50176x64xf32, #tpu.memory_space<hbm>>
      tpu.enqueue_indirect_dma source(%dma_start3A_38 : memref<50176x64xf32, #tpu.memory_space<hbm>>) target(%dma_start3A_33 : memref<128x64xf32, #tpu.memory_space<vmem>>) offsets(%dma_start3A_35 : memref<128xi32, #tpu.memory_space<vmem>>) semaphore(%arg13 : memref<!tpu.dma_semaphore, #tpu.memory_space<semaphore_mem>>)
      %dma_start3A_39 = arith.constant 1 : i32
      %dma_start3A_40 = arith.constant 0 : i32
      %dma_start3A_41 = arith.constant 0 : i32
      %dma_start3A_42 = tpu.memref_slice %arg10[%dma_start3A_39, %dma_start3A_40, %dma_start3A_41] : memref<2x128x64xf32, #tpu.memory_space<vmem>> -> memref<1x128x64xf32, #tpu.memory_space<vmem>>
      %dma_start3A_43 = tpu.memref_squeeze %dma_start3A_42 : memref<1x128x64xf32, #tpu.memory_space<vmem>> -> memref<128x64xf32, #tpu.memory_space<vmem>>
      %dma_start3A_44 = arith.constant 128 : i32
      %dma_start3A_45 = tpu.memref_slice %arg7[%dma_start3A_44] : memref<1792xi32, #tpu.memory_space<vmem>> -> memref<128xi32, #tpu.memory_space<vmem>>
      %dma_start3A_46 = arith.constant 0 : i32
      %dma_start3A_47 = arith.constant 0 : i32
      %dma_start3A_48 = tpu.memref_slice %arg2[%dma_start3A_46, %dma_start3A_47] : memref<50176x64xf32, #tpu.memory_space<hbm>> -> memref<50176x64xf32, #tpu.memory_space<hbm>>
      tpu.enqueue_indirect_dma source(%dma_start3A_48 : memref<50176x64xf32, #tpu.memory_space<hbm>>) target(%dma_start3A_43 : memref<128x64xf32, #tpu.memory_space<vmem>>) offsets(%dma_start3A_45 : memref<128xi32, #tpu.memory_space<vmem>>) semaphore(%arg14 : memref<!tpu.dma_semaphore, #tpu.memory_space<semaphore_mem>>)
      %scan3A_49 = arith.constant 0 : i32
      %scan3A_50 = arith.constant 0 : i32
      %scan3A_51 = arith.constant 7 : i32
      %scan3A_52 = arith.addi %scan3A_50, %scan3A_51 : i32
      %scan3A_53 = arith.constant 1 : i32
      %scan3A_54 = scf.for %scan3A_57 = %scan3A_50 to %scan3A_52 step %scan3A_53 iter_args(%scan3A_58 = %scan3A_49) -> (i32)  : i32 {
        %mul3A_59 = arith.constant 2 : i32
        %mul3A_60 = arith.muli %scan3A_57, %mul3A_59 : i32
        %add3A_61 = arith.constant 0 : i32
        %add3A_62 = arith.addi %mul3A_60, %add3A_61 : i32
        %scan3A_63 = arith.constant 0 : i32
        %scan3A_64 = arith.constant 0 : i32
        %scan3A_65 = arith.constant 8 : i32
        %scan3A_66 = arith.addi %scan3A_64, %scan3A_65 : i32
        %scan3A_67 = arith.constant 1 : i32
        %scan3A_68 = scf.for %scan3A_115 = %scan3A_64 to %scan3A_66 step %scan3A_67 iter_args(%scan3A_116 = %scan3A_63) -> (i32)  : i32 {
          %mul3A_117 = arith.constant 128 : i32
          %mul3A_118 = arith.muli %add3A_62, %mul3A_117 : i32
          %mul3A_119 = arith.constant 16 : i32
          %mul3A_120 = arith.muli %scan3A_115, %mul3A_119 : i32
          %add3A_121 = arith.addi %mul3A_118, %mul3A_120 : i32
          %get3A = arith.index_cast %add3A_121 : i32 to index
          %get3A_122 = tpu.vector_load %arg8[%get3A] {strides = array<i32>} : memref<1792xi32, #tpu.memory_space<vmem>>, vector<16xi32>,
          %get3A_123 = vector.shape_cast %get3A_122 : vector<16xi32> to vector<16xi32>
          %sub3A = vector.broadcast %mul3A_8 : i32 to vector<16xi32>
          %sub3A_124 = arith.subi %get3A_123, %sub3A : vector<16xi32>
          %ge3A = arith.constant 0 : i32
          %ge3A_125 = vector.broadcast %ge3A : i32 to vector<16xi32>
          %ge3A_126 = arith.cmpi sge, %sub3A_124, %ge3A_125 : vector<16xi32>
          %lt3A_127 = arith.constant 25088 : i32
          %lt3A_128 = vector.broadcast %lt3A_127 : i32 to vector<16xi32>
          %lt3A_129 = arith.cmpi slt, %sub3A_124, %lt3A_128 : vector<16xi32>
          %and3A = arith.andi %ge3A_126, %lt3A_129 : vector<16xi1>
          %jit3A = arith.constant 8 : i32
          %eq3A = arith.constant 0 : i32
          %eq3A_130 = arith.cmpi eq, %jit3A, %eq3A : i32
          %jit3A_131 = arith.constant 1 : i32
          %select_n3A = arith.select %eq3A_130, %jit3A_131, %jit3A : i32
          %rem3A = arith.remsi %scan3A_115, %select_n3A : i32
          %ne3A = arith.constant 0 : i32
          %ne3A_132 = arith.cmpi ne, %rem3A, %ne3A : i32
          %lt3A_133 = arith.constant 0 : i32
          %lt3A_134 = arith.cmpi slt, %rem3A, %lt3A_133 : i32
          %lt3A_135 = arith.constant 0 : i32
          %lt3A_136 = arith.cmpi slt, %select_n3A, %lt3A_135 : i32
          %ne3A_137 = arith.xori %lt3A_134, %lt3A_136 : i1
          %and3A_138 = arith.andi %ne3A_137, %ne3A_132 : i1
          %add3A_139 = arith.addi %rem3A, %select_n3A : i32
          %select_n3A_140 = arith.select %and3A_138, %add3A_139, %rem3A : i32
          %mul3A_141 = arith.constant 16 : i32
          %mul3A_142 = arith.muli %select_n3A_140, %mul3A_141 : i32
          %add3A_143 = arith.constant 25088 : i32
          %add3A_144 = arith.addi %add3A_143, %mul3A_142 : i32
          %add3A_145 = vector.broadcast %add3A_144 : i32 to vector<16xi32>
          %add3A_146 = arith.addi %add3A_145, %iota3A : vector<16xi32>
          %select_n3A_147 = arith.select %and3A, %sub3A_124, %add3A_146 : vector<16xi1>, vector<16xi32>
          %mul3A_148 = arith.constant 16 : i32
          %mul3A_149 = arith.muli %scan3A_115, %mul3A_148 : i32
          %swap3A = arith.index_cast %mul3A_149 : i32 to index
          %swap3A_150 = tpu.vector_load %arg9[%swap3A] {strides = array<i32>} : memref<128xi32, #tpu.memory_space<vmem>>, vector<16xi32>,
          %swap3A_151 = vector.shape_cast %swap3A_150 : vector<16xi32> to vector<16xi32>
          %swap3A_152 = vector.shape_cast %select_n3A_147 : vector<16xi32> to vector<16xi32>
          tpu.vector_store %arg9[%swap3A], %swap3A_152 {strides = array<i32>} : memref<128xi32, #tpu.memory_space<vmem>>, vector<16xi32>,
          %scan3A_153 = arith.constant 0 : i32
          scf.yield %scan3A_153 : i32
        }
        %scan3A_69 = arith.constant 8 : i32
        %mul3A_70 = arith.constant 128 : i32
        %mul3A_71 = arith.muli %add3A_62, %mul3A_70 : i32
        %dma_wait3A = arith.constant 0 : i32
        %dma_wait3A_72 = arith.constant 0 : i32
        %dma_wait3A_73 = arith.constant 0 : i32
        %dma_wait3A_74 = tpu.memref_slice %arg10[%dma_wait3A, %dma_wait3A_72, %dma_wait3A_73] : memref<2x128x64xf32, #tpu.memory_space<vmem>> -> memref<1x128x64xf32, #tpu.memory_space<vmem>>
        %dma_wait3A_75 = tpu.memref_squeeze %dma_wait3A_74 : memref<1x128x64xf32, #tpu.memory_space<vmem>> -> memref<128x64xf32, #tpu.memory_space<vmem>>
        %dma_wait3A_76 = tpu.memref_slice %arg7[%mul3A_71] : memref<1792xi32, #tpu.memory_space<vmem>> -> memref<128xi32, #tpu.memory_space<vmem>>
        %dma_wait3A_77 = arith.constant 0 : i32
        %dma_wait3A_78 = arith.constant 0 : i32
        %dma_wait3A_79 = tpu.memref_slice %arg2[%dma_wait3A_77, %dma_wait3A_78] : memref<50176x64xf32, #tpu.memory_space<hbm>> -> memref<50176x64xf32, #tpu.memory_space<hbm>>
        tpu.wait_indirect_dma semaphore(%arg13 : memref<!tpu.dma_semaphore, #tpu.memory_space<semaphore_mem>>) src(%dma_wait3A_79 : memref<50176x64xf32, #tpu.memory_space<hbm>>) dst(%dma_wait3A_75 : memref<128x64xf32, #tpu.memory_space<vmem>>)
        %run_scoped3A = arith.constant 0 : i32
        "tpu.region"() ({
          %run_scoped3A_115 = tpu.sem_alloc : memref<!tpu.dma_semaphore, #tpu.memory_space<semaphore_mem>>
          %dma_start3A_116 = arith.constant 0 : i32
          %dma_start3A_117 = arith.constant 0 : i32
          %dma_start3A_118 = tpu.memref_slice %arg10[%run_scoped3A, %dma_start3A_116, %dma_start3A_117] : memref<2x128x64xf32, #tpu.memory_space<vmem>> -> memref<1x128x64xf32, #tpu.memory_space<vmem>>
          %dma_start3A_119 = tpu.memref_squeeze %dma_start3A_118 : memref<1x128x64xf32, #tpu.memory_space<vmem>> -> memref<128x64xf32, #tpu.memory_space<vmem>>
          %dma_start3A_120 = arith.constant 0 : i32
          %dma_start3A_121 = arith.constant 0 : i32
          %dma_start3A_122 = tpu.memref_slice %arg12[%dma_start3A_120, %dma_start3A_121] : memref<25216x64xf32, #tpu.memory_space<vmem_shared>> -> memref<25216x64xf32, #tpu.memory_space<vmem_shared>>
          tpu.enqueue_indirect_dma source(%dma_start3A_119 : memref<128x64xf32, #tpu.memory_space<vmem>>) target(%dma_start3A_122 : memref<25216x64xf32, #tpu.memory_space<vmem_shared>>) offsets(%arg9 : memref<128xi32, #tpu.memory_space<vmem>>) semaphore(%run_scoped3A_115 : memref<!tpu.dma_semaphore, #tpu.memory_space<semaphore_mem>>) {add = true}
          %dma_wait3A_123 = arith.constant 0 : i32
          %dma_wait3A_124 = arith.constant 0 : i32
          %dma_wait3A_125 = tpu.memref_slice %arg10[%run_scoped3A, %dma_wait3A_123, %dma_wait3A_124] : memref<2x128x64xf32, #tpu.memory_space<vmem>> -> memref<1x128x64xf32, #tpu.memory_space<vmem>>
          %dma_wait3A_126 = tpu.memref_squeeze %dma_wait3A_125 : memref<1x128x64xf32, #tpu.memory_space<vmem>> -> memref<128x64xf32, #tpu.memory_space<vmem>>
          %dma_wait3A_127 = arith.constant 0 : i32
          %dma_wait3A_128 = arith.constant 0 : i32
          %dma_wait3A_129 = tpu.memref_slice %arg12[%dma_wait3A_127, %dma_wait3A_128] : memref<25216x64xf32, #tpu.memory_space<vmem_shared>> -> memref<25216x64xf32, #tpu.memory_space<vmem_shared>>
          tpu.wait_indirect_dma semaphore(%run_scoped3A_115 : memref<!tpu.dma_semaphore, #tpu.memory_space<semaphore_mem>>) src(%dma_wait3A_126 : memref<128x64xf32, #tpu.memory_space<vmem>>) dst(%dma_wait3A_129 : memref<25216x64xf32, #tpu.memory_space<vmem_shared>>)
          tpu.yield
        }) : () -> ()
        %add3A_80 = arith.constant 2 : i32
        %add3A_81 = arith.addi %add3A_62, %add3A_80 : i32
        %lt3A = arith.constant 14 : i32
        %lt3A_82 = arith.cmpi slt, %add3A_81, %lt3A : i32
        %convert_element_type3A = arith.extui %lt3A_82 : i1 to i32
        %cond3A = arith.constant 0 : i32
        %cond3A_83 = arith.cmpi ne, %convert_element_type3A, %cond3A : i32
        scf.if %cond3A_83 {
          %mul3A_115 = arith.constant 128 : i32
          %mul3A_116 = arith.muli %add3A_81, %mul3A_115 : i32
          %dma_start3A_117 = arith.constant 0 : i32
          %dma_start3A_118 = arith.constant 0 : i32
          %dma_start3A_119 = arith.constant 0 : i32
          %dma_start3A_120 = tpu.memref_slice %arg10[%dma_start3A_117, %dma_start3A_118, %dma_start3A_119] : memref<2x128x64xf32, #tpu.memory_space<vmem>> -> memref<1x128x64xf32, #tpu.memory_space<vmem>>
          %dma_start3A_121 = tpu.memref_squeeze %dma_start3A_120 : memref<1x128x64xf32, #tpu.memory_space<vmem>> -> memref<128x64xf32, #tpu.memory_space<vmem>>
          %dma_start3A_122 = tpu.memref_slice %arg7[%mul3A_116] : memref<1792xi32, #tpu.memory_space<vmem>> -> memref<128xi32, #tpu.memory_space<vmem>>
          %dma_start3A_123 = arith.constant 0 : i32
          %dma_start3A_124 = arith.constant 0 : i32
          %dma_start3A_125 = tpu.memref_slice %arg2[%dma_start3A_123, %dma_start3A_124] : memref<50176x64xf32, #tpu.memory_space<hbm>> -> memref<50176x64xf32, #tpu.memory_space<hbm>>
          tpu.enqueue_indirect_dma source(%dma_start3A_125 : memref<50176x64xf32, #tpu.memory_space<hbm>>) target(%dma_start3A_121 : memref<128x64xf32, #tpu.memory_space<vmem>>) offsets(%dma_start3A_122 : memref<128xi32, #tpu.memory_space<vmem>>) semaphore(%arg13 : memref<!tpu.dma_semaphore, #tpu.memory_space<semaphore_mem>>)
        } else {
        }
        %mul3A_84 = arith.constant 2 : i32
        %mul3A_85 = arith.muli %scan3A_57, %mul3A_84 : i32
        %add3A_86 = arith.constant 1 : i32
        %add3A_87 = arith.addi %mul3A_85, %add3A_86 : i32
        %scan3A_88 = arith.constant 0 : i32
        %scan3A_89 = arith.constant 0 : i32
        %scan3A_90 = arith.constant 8 : i32
        %scan3A_91 = arith.addi %scan3A_89, %scan3A_90 : i32
        %scan3A_92 = arith.constant 1 : i32
        %scan3A_93 = scf.for %scan3A_115 = %scan3A_89 to %scan3A_91 step %scan3A_92 iter_args(%scan3A_116 = %scan3A_88) -> (i32)  : i32 {
          %mul3A_117 = arith.constant 128 : i32
          %mul3A_118 = arith.muli %add3A_87, %mul3A_117 : i32
          %mul3A_119 = arith.constant 16 : i32
          %mul3A_120 = arith.muli %scan3A_115, %mul3A_119 : i32
          %add3A_121 = arith.addi %mul3A_118, %mul3A_120 : i32
          %get3A = arith.index_cast %add3A_121 : i32 to index
          %get3A_122 = tpu.vector_load %arg8[%get3A] {strides = array<i32>} : memref<1792xi32, #tpu.memory_space<vmem>>, vector<16xi32>,
          %get3A_123 = vector.shape_cast %get3A_122 : vector<16xi32> to vector<16xi32>
          %sub3A = vector.broadcast %mul3A_8 : i32 to vector<16xi32>
          %sub3A_124 = arith.subi %get3A_123, %sub3A : vector<16xi32>
          %ge3A = arith.constant 0 : i32
          %ge3A_125 = vector.broadcast %ge3A : i32 to vector<16xi32>
          %ge3A_126 = arith.cmpi sge, %sub3A_124, %ge3A_125 : vector<16xi32>
          %lt3A_127 = arith.constant 25088 : i32
          %lt3A_128 = vector.broadcast %lt3A_127 : i32 to vector<16xi32>
          %lt3A_129 = arith.cmpi slt, %sub3A_124, %lt3A_128 : vector<16xi32>
          %and3A = arith.andi %ge3A_126, %lt3A_129 : vector<16xi1>
          %jit3A = arith.constant 8 : i32
          %eq3A = arith.constant 0 : i32
          %eq3A_130 = arith.cmpi eq, %jit3A, %eq3A : i32
          %jit3A_131 = arith.constant 1 : i32
          %select_n3A = arith.select %eq3A_130, %jit3A_131, %jit3A : i32
          %rem3A = arith.remsi %scan3A_115, %select_n3A : i32
          %ne3A = arith.constant 0 : i32
          %ne3A_132 = arith.cmpi ne, %rem3A, %ne3A : i32
          %lt3A_133 = arith.constant 0 : i32
          %lt3A_134 = arith.cmpi slt, %rem3A, %lt3A_133 : i32
          %lt3A_135 = arith.constant 0 : i32
          %lt3A_136 = arith.cmpi slt, %select_n3A, %lt3A_135 : i32
          %ne3A_137 = arith.xori %lt3A_134, %lt3A_136 : i1
          %and3A_138 = arith.andi %ne3A_137, %ne3A_132 : i1
          %add3A_139 = arith.addi %rem3A, %select_n3A : i32
          %select_n3A_140 = arith.select %and3A_138, %add3A_139, %rem3A : i32
          %mul3A_141 = arith.constant 16 : i32
          %mul3A_142 = arith.muli %select_n3A_140, %mul3A_141 : i32
          %add3A_143 = arith.constant 25088 : i32
          %add3A_144 = arith.addi %add3A_143, %mul3A_142 : i32
          %add3A_145 = vector.broadcast %add3A_144 : i32 to vector<16xi32>
          %add3A_146 = arith.addi %add3A_145, %iota3A : vector<16xi32>
          %select_n3A_147 = arith.select %and3A, %sub3A_124, %add3A_146 : vector<16xi1>, vector<16xi32>
          %mul3A_148 = arith.constant 16 : i32
          %mul3A_149 = arith.muli %scan3A_115, %mul3A_148 : i32
          %swap3A = arith.index_cast %mul3A_149 : i32 to index
          %swap3A_150 = tpu.vector_load %arg9[%swap3A] {strides = array<i32>} : memref<128xi32, #tpu.memory_space<vmem>>, vector<16xi32>,
          %swap3A_151 = vector.shape_cast %swap3A_150 : vector<16xi32> to vector<16xi32>
          %swap3A_152 = vector.shape_cast %select_n3A_147 : vector<16xi32> to vector<16xi32>
          tpu.vector_store %arg9[%swap3A], %swap3A_152 {strides = array<i32>} : memref<128xi32, #tpu.memory_space<vmem>>, vector<16xi32>,
          %scan3A_153 = arith.constant 0 : i32
          scf.yield %scan3A_153 : i32
        }
        %scan3A_94 = arith.constant 8 : i32
        %mul3A_95 = arith.constant 128 : i32
        %mul3A_96 = arith.muli %add3A_87, %mul3A_95 : i32
        %dma_wait3A_97 = arith.constant 1 : i32
        %dma_wait3A_98 = arith.constant 0 : i32
        %dma_wait3A_99 = arith.constant 0 : i32
        %dma_wait3A_100 = tpu.memref_slice %arg10[%dma_wait3A_97, %dma_wait3A_98, %dma_wait3A_99] : memref<2x128x64xf32, #tpu.memory_space<vmem>> -> memref<1x128x64xf32, #tpu.memory_space<vmem>>
        %dma_wait3A_101 = tpu.memref_squeeze %dma_wait3A_100 : memref<1x128x64xf32, #tpu.memory_space<vmem>> -> memref<128x64xf32, #tpu.memory_space<vmem>>
        %dma_wait3A_102 = tpu.memref_slice %arg7[%mul3A_96] : memref<1792xi32, #tpu.memory_space<vmem>> -> memref<128xi32, #tpu.memory_space<vmem>>
        %dma_wait3A_103 = arith.constant 0 : i32
        %dma_wait3A_104 = arith.constant 0 : i32
        %dma_wait3A_105 = tpu.memref_slice %arg2[%dma_wait3A_103, %dma_wait3A_104] : memref<50176x64xf32, #tpu.memory_space<hbm>> -> memref<50176x64xf32, #tpu.memory_space<hbm>>
        tpu.wait_indirect_dma semaphore(%arg14 : memref<!tpu.dma_semaphore, #tpu.memory_space<semaphore_mem>>) src(%dma_wait3A_105 : memref<50176x64xf32, #tpu.memory_space<hbm>>) dst(%dma_wait3A_101 : memref<128x64xf32, #tpu.memory_space<vmem>>)
        %run_scoped3A_106 = arith.constant 1 : i32
        "tpu.region"() ({
          %run_scoped3A_115 = tpu.sem_alloc : memref<!tpu.dma_semaphore, #tpu.memory_space<semaphore_mem>>
          %dma_start3A_116 = arith.constant 0 : i32
          %dma_start3A_117 = arith.constant 0 : i32
          %dma_start3A_118 = tpu.memref_slice %arg10[%run_scoped3A_106, %dma_start3A_116, %dma_start3A_117] : memref<2x128x64xf32, #tpu.memory_space<vmem>> -> memref<1x128x64xf32, #tpu.memory_space<vmem>>
          %dma_start3A_119 = tpu.memref_squeeze %dma_start3A_118 : memref<1x128x64xf32, #tpu.memory_space<vmem>> -> memref<128x64xf32, #tpu.memory_space<vmem>>
          %dma_start3A_120 = arith.constant 0 : i32
          %dma_start3A_121 = arith.constant 0 : i32
          %dma_start3A_122 = tpu.memref_slice %arg12[%dma_start3A_120, %dma_start3A_121] : memref<25216x64xf32, #tpu.memory_space<vmem_shared>> -> memref<25216x64xf32, #tpu.memory_space<vmem_shared>>
          tpu.enqueue_indirect_dma source(%dma_start3A_119 : memref<128x64xf32, #tpu.memory_space<vmem>>) target(%dma_start3A_122 : memref<25216x64xf32, #tpu.memory_space<vmem_shared>>) offsets(%arg9 : memref<128xi32, #tpu.memory_space<vmem>>) semaphore(%run_scoped3A_115 : memref<!tpu.dma_semaphore, #tpu.memory_space<semaphore_mem>>) {add = true}
          %dma_wait3A_123 = arith.constant 0 : i32
          %dma_wait3A_124 = arith.constant 0 : i32
          %dma_wait3A_125 = tpu.memref_slice %arg10[%run_scoped3A_106, %dma_wait3A_123, %dma_wait3A_124] : memref<2x128x64xf32, #tpu.memory_space<vmem>> -> memref<1x128x64xf32, #tpu.memory_space<vmem>>
          %dma_wait3A_126 = tpu.memref_squeeze %dma_wait3A_125 : memref<1x128x64xf32, #tpu.memory_space<vmem>> -> memref<128x64xf32, #tpu.memory_space<vmem>>
          %dma_wait3A_127 = arith.constant 0 : i32
          %dma_wait3A_128 = arith.constant 0 : i32
          %dma_wait3A_129 = tpu.memref_slice %arg12[%dma_wait3A_127, %dma_wait3A_128] : memref<25216x64xf32, #tpu.memory_space<vmem_shared>> -> memref<25216x64xf32, #tpu.memory_space<vmem_shared>>
          tpu.wait_indirect_dma semaphore(%run_scoped3A_115 : memref<!tpu.dma_semaphore, #tpu.memory_space<semaphore_mem>>) src(%dma_wait3A_126 : memref<128x64xf32, #tpu.memory_space<vmem>>) dst(%dma_wait3A_129 : memref<25216x64xf32, #tpu.memory_space<vmem_shared>>)
          tpu.yield
        }) : () -> ()
        %add3A_107 = arith.constant 2 : i32
        %add3A_108 = arith.addi %add3A_87, %add3A_107 : i32
        %lt3A_109 = arith.constant 14 : i32
        %lt3A_110 = arith.cmpi slt, %add3A_108, %lt3A_109 : i32
        %convert_element_type3A_111 = arith.extui %lt3A_110 : i1 to i32
        %cond3A_112 = arith.constant 0 : i32
        %cond3A_113 = arith.cmpi ne, %convert_element_type3A_111, %cond3A_112 : i32
        scf.if %cond3A_113 {
          %mul3A_115 = arith.constant 128 : i32
          %mul3A_116 = arith.muli %add3A_108, %mul3A_115 : i32
          %dma_start3A_117 = arith.constant 1 : i32
          %dma_start3A_118 = arith.constant 0 : i32
          %dma_start3A_119 = arith.constant 0 : i32
          %dma_start3A_120 = tpu.memref_slice %arg10[%dma_start3A_117, %dma_start3A_118, %dma_start3A_119] : memref<2x128x64xf32, #tpu.memory_space<vmem>> -> memref<1x128x64xf32, #tpu.memory_space<vmem>>
          %dma_start3A_121 = tpu.memref_squeeze %dma_start3A_120 : memref<1x128x64xf32, #tpu.memory_space<vmem>> -> memref<128x64xf32, #tpu.memory_space<vmem>>
          %dma_start3A_122 = tpu.memref_slice %arg7[%mul3A_116] : memref<1792xi32, #tpu.memory_space<vmem>> -> memref<128xi32, #tpu.memory_space<vmem>>
          %dma_start3A_123 = arith.constant 0 : i32
          %dma_start3A_124 = arith.constant 0 : i32
          %dma_start3A_125 = tpu.memref_slice %arg2[%dma_start3A_123, %dma_start3A_124] : memref<50176x64xf32, #tpu.memory_space<hbm>> -> memref<50176x64xf32, #tpu.memory_space<hbm>>
          tpu.enqueue_indirect_dma source(%dma_start3A_125 : memref<50176x64xf32, #tpu.memory_space<hbm>>) target(%dma_start3A_121 : memref<128x64xf32, #tpu.memory_space<vmem>>) offsets(%dma_start3A_122 : memref<128xi32, #tpu.memory_space<vmem>>) semaphore(%arg14 : memref<!tpu.dma_semaphore, #tpu.memory_space<semaphore_mem>>)
        } else {
        }
        %scan3A_114 = arith.constant 0 : i32
        scf.yield %scan3A_114 : i32
      }
      %scan3A_55 = arith.constant 7 : i32
      %scan3A_56 = arith.constant 0 : i32
      scf.yield %scan3A_56 : i32
    }
    %scan3A_17 = arith.constant 28 : i32
    %barrier3A_18 = arith.constant 0 : index
    tpu.barrier barrier_id(%barrier3A_18)
    %scan3A_19 = arith.constant 0 : i32
    %scan3A_20 = arith.constant 0 : i32
    %scan3A_21 = arith.constant 28 : i32
    %scan3A_22 = arith.addi %scan3A_20, %scan3A_21 : i32
    %scan3A_23 = arith.constant 1 : i32
    %scan3A_24 = scf.for %scan3A_26 = %scan3A_20 to %scan3A_22 step %scan3A_23 iter_args(%scan3A_27 = %scan3A_19) -> (i32)  : i32 {
      %mul3A_28 = arith.constant 56 : i32
      %mul3A_29 = arith.muli %scan3A_26, %mul3A_28 : i32
      %add3A = arith.addi %mul3A_0, %mul3A_29 : i32
      "tpu.region"() ({
        %run_scoped3A = tpu.sem_alloc : memref<!tpu.dma_semaphore, #tpu.memory_space<semaphore_mem>>
        %dma_start3A = arith.constant 0 : i32
        %dma_start3A_34 = tpu.memref_slice %arg12[%add3A, %dma_start3A] : memref<25216x64xf32, #tpu.memory_space<vmem_shared>> -> memref<56x64xf32, #tpu.memory_space<vmem_shared>>
        %dma_start3A_35 = arith.constant 0 : i32
        %dma_start3A_36 = tpu.memref_slice %arg12[%add3A, %dma_start3A_35] : memref<25216x64xf32, #tpu.memory_space<vmem_shared>> -> memref<56x64xf32, #tpu.memory_space<vmem_shared>>
        tpu.enqueue_dma source(%dma_start3A_36 : memref<56x64xf32, #tpu.memory_space<vmem_shared>>) target(%arg11 : memref<56x64xf32, #tpu.memory_space<vmem>>) target_semaphore(%run_scoped3A : memref<!tpu.dma_semaphore, #tpu.memory_space<semaphore_mem>>)
        %dma_wait3A = arith.constant 0 : i32
        %dma_wait3A_37 = tpu.memref_slice %arg12[%add3A, %dma_wait3A] : memref<25216x64xf32, #tpu.memory_space<vmem_shared>> -> memref<56x64xf32, #tpu.memory_space<vmem_shared>>
        %dma_wait3A_38 = arith.constant 0 : i32
        %dma_wait3A_39 = tpu.memref_slice %arg12[%add3A, %dma_wait3A_38] : memref<25216x64xf32, #tpu.memory_space<vmem_shared>> -> memref<56x64xf32, #tpu.memory_space<vmem_shared>>
        tpu.wait_dma2 semaphore(%run_scoped3A : memref<!tpu.dma_semaphore, #tpu.memory_space<semaphore_mem>>) src(%dma_wait3A_39 : memref<56x64xf32, #tpu.memory_space<vmem_shared>>) dst(%arg11 : memref<56x64xf32, #tpu.memory_space<vmem>>)
        tpu.yield
      }) : () -> ()
      %mul3A_30 = arith.constant 25088 : i32
      %mul3A_31 = arith.muli %arg0, %mul3A_30 : i32
      %add3A_32 = arith.addi %mul3A_31, %add3A : i32
      "tpu.region"() ({
        %run_scoped3A = tpu.sem_alloc : memref<!tpu.dma_semaphore, #tpu.memory_space<semaphore_mem>>
        %dma_start3A = arith.constant 0 : i32
        %dma_start3A_34 = tpu.memref_slice %arg6[%add3A_32, %dma_start3A] : memref<50176x64xf32, #tpu.memory_space<hbm>> -> memref<56x64xf32, #tpu.memory_space<hbm>>
        %dma_start3A_35 = arith.constant 0 : i32
        %dma_start3A_36 = tpu.memref_slice %arg6[%add3A_32, %dma_start3A_35] : memref<50176x64xf32, #tpu.memory_space<hbm>> -> memref<56x64xf32, #tpu.memory_space<hbm>>
        tpu.enqueue_dma source(%arg11 : memref<56x64xf32, #tpu.memory_space<vmem>>) target(%dma_start3A_36 : memref<56x64xf32, #tpu.memory_space<hbm>>) target_semaphore(%run_scoped3A : memref<!tpu.dma_semaphore, #tpu.memory_space<semaphore_mem>>)
        %dma_wait3A = arith.constant 0 : i32
        %dma_wait3A_37 = tpu.memref_slice %arg6[%add3A_32, %dma_wait3A] : memref<50176x64xf32, #tpu.memory_space<hbm>> -> memref<56x64xf32, #tpu.memory_space<hbm>>
        %dma_wait3A_38 = arith.constant 0 : i32
        %dma_wait3A_39 = tpu.memref_slice %arg6[%add3A_32, %dma_wait3A_38] : memref<50176x64xf32, #tpu.memory_space<hbm>> -> memref<56x64xf32, #tpu.memory_space<hbm>>
        tpu.wait_dma2 semaphore(%run_scoped3A : memref<!tpu.dma_semaphore, #tpu.memory_space<semaphore_mem>>) src(%arg11 : memref<56x64xf32, #tpu.memory_space<vmem>>) dst(%dma_wait3A_39 : memref<56x64xf32, #tpu.memory_space<hbm>>)
        tpu.yield
      }) : () -> ()
      %scan3A_33 = arith.constant 0 : i32
      scf.yield %scan3A_33 : i32
    }
    %scan3A_25 = arith.constant 28 : i32
    return
  }
}

module attributes {stable_mosaic.version = 14 : i64} {
  func.func @_norm_body(%arg0: i32, %arg1: memref<2x3584x8xf32, #tpu.memory_space<vmem>>, %arg2: memref<3584x64xf32, #tpu.memory_space<vmem>>, %arg3: memref<3584x64xf32, #tpu.memory_space<vmem>>, %arg4: memref<3584x8xf32, #tpu.memory_space<vmem>>) attributes {dimension_semantics = [#tpu.dimension_semantics<arbitrary>], iteration_bounds = array<i64: 14>, scalar_prefetch = 0 : i64, scratch_operands = 0 : i64, tpu.core_type = #tpu.core_type<tc>, window_params = [{transform_indices = @transform_0, window_bounds = array<i64: 2, 3584, 8>}, {transform_indices = @transform_1, window_bounds = array<i64: 3584, 64>}, {transform_indices = @transform_2, window_bounds = array<i64: 3584, 64>}, {transform_indices = @transform_3, window_bounds = array<i64: 3584, 8>}]} {
    %get3A = arith.constant 0 : index
    %get3A_0 = arith.constant 0 : index
    %get3A_1 = arith.constant 0 : index
    %get3A_2 = vector.load %arg1[%get3A, %get3A_0, %get3A_1] : memref<2x3584x8xf32, #tpu.memory_space<vmem>>, vector<1x3584x1xf32>
    %get3A_3 = vector.shape_cast %get3A_2 : vector<1x3584x1xf32> to vector<3584x1xf32>
    %get3A_4 = arith.constant 1 : index
    %get3A_5 = arith.constant 0 : index
    %get3A_6 = arith.constant 0 : index
    %get3A_7 = vector.load %arg1[%get3A_4, %get3A_5, %get3A_6] : memref<2x3584x8xf32, #tpu.memory_space<vmem>>, vector<1x3584x1xf32>
    %get3A_8 = vector.shape_cast %get3A_7 : vector<1x3584x1xf32> to vector<3584x1xf32>
    %add3A = arith.addf %get3A_3, %get3A_8 : vector<3584x1xf32>
    %add3A_9 = arith.constant 1.000000e+00 : f32
    %add3A_10 = vector.broadcast %add3A_9 : f32 to vector<3584x1xf32>
    %add3A_11 = arith.addf %add3A, %add3A_10 : vector<3584x1xf32>
    %rsqrt3A = math.rsqrt %add3A_11 : vector<3584x1xf32>
    %get3A_12 = arith.constant 0 : index
    %get3A_13 = arith.constant 0 : index
    %get3A_14 = vector.load %arg2[%get3A_12, %get3A_13] : memref<3584x64xf32, #tpu.memory_space<vmem>>, vector<3584x64xf32>
    %mul3A = vector.broadcast %rsqrt3A : vector<3584x1xf32> to vector<3584x64xf32>
    %mul3A_15 = arith.mulf %mul3A, %get3A_14 : vector<3584x64xf32>
    %swap3A = arith.constant 0 : index
    %swap3A_16 = arith.constant 0 : index
    %swap3A_17 = vector.load %arg3[%swap3A, %swap3A_16] : memref<3584x64xf32, #tpu.memory_space<vmem>>, vector<3584x64xf32>
    tpu.vector_store %arg3[%swap3A, %swap3A_16], %mul3A_15 {strides = array<i32>} : memref<3584x64xf32, #tpu.memory_space<vmem>>, vector<3584x64xf32>,
    %broadcast_in_dim3A = vector.shape_cast %rsqrt3A : vector<3584x1xf32> to vector<3584x1xf32>
    %broadcast_in_dim3A_18 = vector.broadcast %broadcast_in_dim3A : vector<3584x1xf32> to vector<3584x8xf32>
    %swap3A_19 = arith.constant 0 : index
    %swap3A_20 = arith.constant 0 : index
    %swap3A_21 = vector.load %arg4[%swap3A_19, %swap3A_20] : memref<3584x8xf32, #tpu.memory_space<vmem>>, vector<3584x8xf32>
    tpu.vector_store %arg4[%swap3A_19, %swap3A_20], %broadcast_in_dim3A_18 {strides = array<i32>} : memref<3584x8xf32, #tpu.memory_space<vmem>>, vector<3584x8xf32>,
    return
  }
  func.func @transform_0(%arg0: i32) -> (i32, i32, i32) {
    %c0_i32 = arith.constant 0 : i32
    %c0_i32_0 = arith.constant 0 : i32
    %c0_i32_1 = arith.constant 0 : i32
    return %c0_i32, %arg0, %c0_i32_0 : i32, i32, i32
  }
  func.func @transform_1(%arg0: i32) -> (i32, i32) {
    %c0_i32 = arith.constant 0 : i32
    %c0_i32_0 = arith.constant 0 : i32
    return %arg0, %c0_i32 : i32, i32
  }
  func.func @transform_2(%arg0: i32) -> (i32, i32) {
    %c0_i32 = arith.constant 0 : i32
    %c0_i32_0 = arith.constant 0 : i32
    return %arg0, %c0_i32 : i32, i32
  }
  func.func @transform_3(%arg0: i32) -> (i32, i32) {
    %c0_i32 = arith.constant 0 : i32
    %c0_i32_0 = arith.constant 0 : i32
    return %arg0, %c0_i32 : i32, i32
  }
}

module attributes {stable_mosaic.version = 14 : i64} {
  func.func @_out_body(%arg0: i32, %arg1: memref<3584x64xf32, #tpu.memory_space<vmem>>, %arg2: memref<3584x64xf32, #tpu.memory_space<vmem>>, %arg3: memref<3584x8xf32, #tpu.memory_space<vmem>>, %arg4: memref<64x64xf32, #tpu.memory_space<vmem>>, %arg5: memref<1x64xf32, #tpu.memory_space<vmem>>, %arg6: memref<3584x64xf32, #tpu.memory_space<vmem>>) attributes {dimension_semantics = [#tpu.dimension_semantics<arbitrary>], iteration_bounds = array<i64: 14>, scalar_prefetch = 0 : i64, scratch_operands = 0 : i64, tpu.core_type = #tpu.core_type<tc>, window_params = [{transform_indices = @transform_0, window_bounds = array<i64: 3584, 64>}, {transform_indices = @transform_1, window_bounds = array<i64: 3584, 64>}, {transform_indices = @transform_2, window_bounds = array<i64: 3584, 8>}, {pipeline_mode = #tpu.pipeline_mode<synchronous>, transform_indices = @transform_3, window_bounds = array<i64: 64, 64>}, {pipeline_mode = #tpu.pipeline_mode<synchronous>, transform_indices = @transform_4, window_bounds = array<i64: 1, 64>}, {transform_indices = @transform_5, window_bounds = array<i64: 3584, 64>}]} {
    %get3A = arith.constant 0 : index
    %get3A_0 = arith.constant 0 : index
    %get3A_1 = vector.load %arg3[%get3A, %get3A_0] : memref<3584x8xf32, #tpu.memory_space<vmem>>, vector<3584x1xf32>
    %get3A_2 = arith.constant 0 : index
    %get3A_3 = arith.constant 0 : index
    %get3A_4 = vector.load %arg1[%get3A_2, %get3A_3] : memref<3584x64xf32, #tpu.memory_space<vmem>>, vector<3584x64xf32>
    %get3A_5 = arith.constant 0 : index
    %get3A_6 = arith.constant 0 : index
    %get3A_7 = vector.load %arg2[%get3A_5, %get3A_6] : memref<3584x64xf32, #tpu.memory_space<vmem>>, vector<3584x64xf32>
    %add3A = arith.addf %get3A_4, %get3A_7 : vector<3584x64xf32>
    %mul3A = vector.broadcast %get3A_1 : vector<3584x1xf32> to vector<3584x64xf32>
    %mul3A_8 = arith.mulf %mul3A, %add3A : vector<3584x64xf32>
    %get3A_9 = arith.constant 0 : index
    %get3A_10 = arith.constant 0 : index
    %get3A_11 = vector.load %arg4[%get3A_9, %get3A_10] : memref<64x64xf32, #tpu.memory_space<vmem>>, vector<64x64xf32>
    %dot_general3A = arith.constant dense<0.000000e+00> : vector<3584x64xf32>
    %dot_general3A_12 = tpu.matmul %mul3A_8, %get3A_11, %dot_general3A {dimension_numbers = #tpu.dot_dimension_numbers<[1], [0], [0], [1], [0, 0, 1, 1], [], []>, transpose_lhs_hint = false} : vector<3584x64xf32>, vector<64x64xf32>, vector<3584x64xf32> -> vector<3584x64xf32>
    %get3A_13 = arith.constant 0 : index
    %get3A_14 = arith.constant 0 : index
    %get3A_15 = vector.load %arg5[%get3A_13, %get3A_14] : memref<1x64xf32, #tpu.memory_space<vmem>>, vector<1x64xf32>
    %add3A_16 = vector.broadcast %get3A_15 : vector<1x64xf32> to vector<3584x64xf32>
    %add3A_17 = arith.addf %dot_general3A_12, %add3A_16 : vector<3584x64xf32>
    %max3A = arith.constant 0.000000e+00 : f32
    %max3A_18 = vector.broadcast %max3A : f32 to vector<3584x64xf32>
    %max3A_19 = arith.maximumf %add3A_17, %max3A_18 : vector<3584x64xf32>
    %swap3A = arith.constant 0 : index
    %swap3A_20 = arith.constant 0 : index
    %swap3A_21 = vector.load %arg6[%swap3A, %swap3A_20] : memref<3584x64xf32, #tpu.memory_space<vmem>>, vector<3584x64xf32>
    tpu.vector_store %arg6[%swap3A, %swap3A_20], %max3A_19 {strides = array<i32>} : memref<3584x64xf32, #tpu.memory_space<vmem>>, vector<3584x64xf32>,
    return
  }
  func.func @transform_0(%arg0: i32) -> (i32, i32) {
    %c0_i32 = arith.constant 0 : i32
    %c0_i32_0 = arith.constant 0 : i32
    return %arg0, %c0_i32 : i32, i32
  }
  func.func @transform_1(%arg0: i32) -> (i32, i32) {
    %c0_i32 = arith.constant 0 : i32
    %c0_i32_0 = arith.constant 0 : i32
    return %arg0, %c0_i32 : i32, i32
  }
  func.func @transform_2(%arg0: i32) -> (i32, i32) {
    %c0_i32 = arith.constant 0 : i32
    %c0_i32_0 = arith.constant 0 : i32
    return %arg0, %c0_i32 : i32, i32
  }
  func.func @transform_3(%arg0: i32) -> (i32, i32) {
    %c0_i32 = arith.constant 0 : i32
    %c0_i32_0 = arith.constant 0 : i32
    %c0_i32_1 = arith.constant 0 : i32
    return %c0_i32, %c0_i32_0 : i32, i32
  }
  func.func @transform_4(%arg0: i32) -> (i32, i32) {
    %c0_i32 = arith.constant 0 : i32
    %c0_i32_0 = arith.constant 0 : i32
    %c0_i32_1 = arith.constant 0 : i32
    return %c0_i32, %c0_i32_0 : i32, i32
  }
  func.func @transform_5(%arg0: i32) -> (i32, i32) {
    %c0_i32 = arith.constant 0 : i32
    %c0_i32_0 = arith.constant 0 : i32
    return %arg0, %c0_i32 : i32, i32
  }
}

</mosaic_0001>

<sc_bundles>
// kernel: kernel.6.cloned.1.call-start
scs
__scs_entry_jumppad:
0x0: {  	(pc) =	sbr.rel $0x88, $3  }
0x1: {  	(tag) =	ssettag $0x0;
	lr =	simm.s32 $0x1  }
0x2: {  	[smem:$0x3F9D] =	sst lr;
	_ =	strace $0xD0000000  }
0x3: {  	_ = 	snop  }
0x4: {  	_ = 	snop  }
0x5: {  	_ = 	snop  }
0x6: {  	_ = 	snop  }
0x7: {  	_ = 	snop  }
__scs_overlays_trampoline_lowered:
0x8: {  	[smem:$0x3FAC] =	sst s0  }
0x9: {  	[smem:$0x3FAD] =	sst s1  }
0xa: {  	[smem:$0x3FAE] =	sst s2  }
0xb: {  	[smem:$0x3FAF] =	sst s3  }
0xc: {  	[smem:$0x3FB0] =	sst s4  }
0xd: {  	[smem:$0x3FB1] =	sst s5  }
0xe: {  	[smem:$0x3FB2] =	sst s6  }
0xf: {  	[smem:$0x3FB3] =	sst s7  }
0x10: {  	[smem:$0x3FB4] =	sst s8  }
0x11: {  	[smem:$0x3FB5] =	sst s9;
	s0 =	simm.s32 @!p0 $0x0  }
0x12: {  	s1 =	sld [smem:$0x3F9B];
	s0 =	simm.s32 @p0 $0x1  }
0x13: {  	[smem:$0x3FB6] =	sst s0;
	s0 =	simm.s32 @!p1 $0x0  }
0x14: {  	s2 =	sld [smem:$0x3F9A];
	s0 =	simm.s32 @p1 $0x1  }
0x15: {  	[smem:$0x3FB7] =	sst s0;
	s0 =	simm.s32 @!p2 $0x0  }
0x16: {  	s3 =	sld [smem:$0x3FDB];
	s0 =	simm.s32 @p2 $0x1  }
0x17: {  	s4 =	simm.s32 $0x1BF5;
	[smem:$0x3FB9] =	sst s0  }
0x18: {  	s0 =	sld [smem:$0x3F9C];
	_ =	swait.ge [sflag:s4], $0x0  }
0x19: {  	s7 =	sld [smem:$0x3F9D]  }
0x1a: {  	s8 =	sadd.s32 $0xFFFFE003, lr  }
0x1b: {  	s9 =	sadd.s32 $0xFFFFFEF7, lr;
	s5 =	simm.s32 $0xFFFFFFFF;
	p2 =	slt.u32 s8, $0xFFFFF086  }
0x1c: {  	p1 =	slt.u32 s9, $0xF7A;
	s5 =	simm.s32 @!p2 $0x0  }
0x1d: {  	s5 =	simm.s32 @p1 $0x1;
	p0 =	seq.s32 s7, s2  }
0x1e: {  	s7 =	smul.u32 @!p0 $0xF7A, s2;
	p2 =	seq.s32 @!p0 s5, $0x0  }
0x1f: {  	s9 =	smul.u32 $0xF7A, s1;
	s8 =	simm.s32 @!p0 $0x1BF5;
	p2 =	por !p2, p0  }
0x20: {  	[sflag:s8] =	ssyncset.s32 @!p0 $0xFFFFF086;
	s6 =	sadd.s32 @!p0 s3, s7;
	s7 =	simm.s32 @!p0 $0x108  }
0x21: {  	s3 =	sadd.s32 s3, s9;
	s6 =	sadd.s32 @!p0 $0x88, s6;
	s7 =	simm.s32 @p2 $0x1082  }
0x22: {  	[simem:s7], [sflag:s8] =	dma.local @!p0 [hbm:s6], $0xF7A  }
0x23: {  	s9 =	sor.u32 $0xD0000000, s2;
	s6 =	simm.s32 $0x108;
	_ =	swait.ge @!p0 [sflag:s8], $0x0  }
0x24: {  	s3 =	sadd.s32 $0x88, s3;
	s6 =	simm.s32 @!p1 $0x1082;
	[sflag:s4] =	ssyncset.s32 $0xFFFFF086  }
0x25: {  	[simem:s6], [sflag:s4] =	dma.local [hbm:s3], $0xF7A  }
0x26: {  	[smem:$0x3F9D] =	sst s1;
	(tag) =	ssettag s2;
	_ =	strace s9  }
0x27: {  	s1 =	sld [smem:$0x3FAD]  }
0x28: {  	s2 =	sld [smem:$0x3FAE]  }
0x29: {  	s4 =	sld [smem:$0x3FB0]  }
0x2a: {  	p0 =	seq.s32 s5, $0x0;
	s5 =	sld [smem:$0x3FB1]  }
0x2b: {  	s6 =	sld [smem:$0x3FB2]  }
0x2c: {  	s7 =	sld [smem:$0x3FB3]  }
0x2d: {  	s3 =	simm.s32 $0x108;
	s8 =	sld [smem:$0x3FB4]  }
0x2e: {  	s3 =	simm.s32 @!p0 $0x1082;
	s9 =	sld [smem:$0x3FB5]  }
0x2f: {  	lr =	sadd.s32 s0, s3;
	s0 =	sld [smem:$0x3FAC]  }
0x30: {  	s3 =	sld [smem:$0x3FAF]  }
0x31: {  	[smem:$0x3FB8] =	sst s10  }
0x32: {  	s10 =	sld [smem:$0x3FB6];
	_ =	sdelay $0x3  }
0x33: {  	p0 =	seq.s32 s10, $0x1;
	s10 =	sld [smem:$0x3FB8];
	_ =	sdelay $0x3  }
0x34: {  	[smem:$0x3FB8] =	sst s10  }
0x35: {  	s10 =	sld [smem:$0x3FB7];
	_ =	sdelay $0x3  }
0x36: {  	p1 =	seq.s32 s10, $0x1;
	s10 =	sld [smem:$0x3FB8];
	_ =	sdelay $0x3  }
0x37: {  	[smem:$0x3FB8] =	sst s10  }
0x38: {  	s10 =	sld [smem:$0x3FB9]  }
0x39: {  	_ = 	snop;
	(pc) =	sbr.ind lr, $3  }
0x3a: {  	_ = 	snop  }
0x3b: {  	_ = 	snop  }
0x3c: {  	p2 =	seq.s32 s10, $0x1;
	s10 =	sld [smem:$0x3FB8]  }
0x3d: {  	_ =	shalt  }
0x3e: {  	_ =	shalt  }
0x3f: {  	_ =	shalt  }
0x40: {  	_ =	shalt  }
0x41: {  	_ =	shalt  }
0x42: {  	_ =	shalt  }
0x43: {  	_ =	shalt  }
0x44: {  	_ =	shalt  }
0x45: {  	_ =	shalt  }
0x46: {  	_ =	shalt  }
0x47: {  	_ =	shalt  }
0x48: {  	_ =	shalt  }
0x49: {  	_ =	shalt  }
0x4a: {  	_ =	shalt  }
0x4b: {  	_ =	shalt  }
0x4c: {  	_ =	shalt  }
0x4d: {  	_ =	shalt  }
0x4e: {  	_ =	shalt  }
0x4f: {  	_ =	shalt  }
0x50: {  	_ =	shalt  }
0x51: {  	_ =	shalt  }
0x52: {  	_ =	shalt  }
0x53: {  	_ =	shalt  }
0x54: {  	_ =	shalt  }
0x55: {  	_ =	shalt  }
0x56: {  	_ =	shalt  }
0x57: {  	_ =	shalt  }
0x58: {  	_ =	shalt  }
0x59: {  	_ =	shalt  }
0x5a: {  	_ =	shalt  }
0x5b: {  	_ =	shalt  }
0x5c: {  	_ =	shalt  }
0x5d: {  	_ =	shalt  }
0x5e: {  	_ =	shalt  }
0x5f: {  	_ =	shalt  }
0x60: {  	_ =	shalt  }
0x61: {  	_ =	shalt  }
0x62: {  	_ =	shalt  }
0x63: {  	_ =	shalt  }
0x64: {  	_ =	shalt  }
0x65: {  	_ =	shalt  }
0x66: {  	_ =	shalt  }
0x67: {  	_ =	shalt  }
0x68: {  	_ =	shalt  }
0x69: {  	_ =	shalt  }
0x6a: {  	_ =	shalt  }
0x6b: {  	_ =	shalt  }
0x6c: {  	_ =	shalt  }
0x6d: {  	_ =	shalt  }
0x6e: {  	_ =	shalt  }
0x6f: {  	_ =	shalt  }
0x70: {  	_ =	shalt  }
0x71: {  	_ =	shalt  }
0x72: {  	_ =	shalt  }
0x73: {  	_ =	shalt  }
0x74: {  	_ =	shalt  }
0x75: {  	_ =	shalt  }
0x76: {  	_ =	shalt  }
0x77: {  	_ =	shalt  }
0x78: {  	_ =	shalt  }
0x79: {  	_ =	shalt  }
0x7a: {  	_ =	shalt  }
0x7b: {  	_ =	shalt  }
0x7c: {  	_ =	shalt  }
0x7d: {  	_ =	shalt  }
0x7e: {  	_ =	shalt  }
0x7f: {  	_ =	shalt  }
0x80: {  	_ =	shalt  }
0x81: {  	_ =	shalt  }
0x82: {  	_ =	shalt  }
0x83: {  	_ =	shalt  }
0x84: {  	_ =	shalt  }
0x85: {  	_ =	shalt  }
0x86: {  	_ =	shalt  }
0x87: {  	_ =	shalt  }
.Lfunc_end0:
.L_simem_size_0:
called_computation_lowered:
.L_overlay_start_0:
0x88: {  	s2 =	sld [smem:$0x3FD9]  }
0x89: {  	s3 =	sld [smem:$0x3FFE];
	_ =	sdelay $0x1  }
0x8a: {  	s1 =	srdreg.scid  }
0x8b: {  	s0 =	sand.u32 $0x1, s1  }
0x8c: {  	s17 =	sshll.u32 s0, $0xA;
	s2 =	sadd.s32 s3, s2  }
0x8d: {  	s2 =	sadd.s32 s2, s17  }
0x8e: {  	[smem:$0x3FC4] =	sst s2  }
0x8f: {  	_ = 	snop  }
0x90: {  	s2 =	sld [smem:$0x3FD0];
	(tm) =	ssettm $0x1  }
0x91: {  	s18 =	sld [smem:$0x3FFB];
	_ =	sdelay $0x3  }
0x92: {  	_ =	strace s18  }
0x93: {  	s3 =	sld [smem:$0x3FFC];
	_ =	sdelay $0x3  }
0x94: {  	_ =	strace s3  }
0x95: {  	s3 =	sld [smem:$0x3FFD];
	_ =	sdelay $0x3  }
0x96: {  	_ =	strace s3  }
0x97: {  	_ =	strace $0x8FFFFFFF  }
0x98: {  	s19 =	sld [smem:$0x3FDB];
	_ =	sdelay $0x1  }
0x99: {  	s4 =	simm.s32 $_scs_section_size  }
0x9a: {  	s5 =	simm.s32 $_size__tile_overlayer_lowered;
	s6 =	simm.s32 $_tile_overlayer_lowered  }
0x9b: {  	s22 =	simm.s32 $0x1BFF;
	s21 =	sshll.u32 s6, $0x1;
	s3 =	sadd.s32 s4, s19  }
0x9c: {  	s7 =	simm.s32 $0x0;
	s20 =	sshll.u32 s5, $0x1;
	s5 =	sadd.s32 s21, s3  }
0x9d: {  	[timem:s7], [sflag:s22] =	dma.local [hbm:s5], s20  }
0x9e: {  	_ =	swait.ge [sflag:s22], s20  }
0x9f: {  	s4 =	ssub.s32 $0x0, s20;
	[sflag:s22] =	ssyncset.done $0x0  }
0xa0: {  	[sflag:s22] =	ssyncadd.s32 s4;
	_ =	sdelay $0x1  }
0xa1: {  	s23 =	simm.s32 $0x1B8B  }
0xa2: {  	_ =	swait.ge [sflag:s23], $0x1  }
0xa3: {  	[sflag:s23] =	ssyncset.done $0x0  }
0xa4: {  	s25 =	simm.s32 $0x1B8E;
	s24 =	sld [smem:$0x3FFE];
	[sflag:s23] =	ssyncadd.s32 $0xFFFFFFFF  }
0xa5: {  	s26 =	simm.s32 $execute0_lowered;
	[smem:$0x3FD2] =	sst s25  }
0xa6: {  	s5 =	sshll.u32 s26, $0x1;
	_ =	strace $0x80000046;
	[dreg:$0x1] =	wrdreg $0xFFFFFFFF  }
0xa7: {  	s28 =	simm.s32 $_size_execute0_lowered;
	s3 =	sadd.s32 s3, s5;
	[dreg:$0x0] =	wrdreg $0x0  }
0xa8: {  	s5 =	sshll.u32 s28, $0x1;
	[dreg:$0x2] =	wrdreg s3  }
0xa9: {  	[dreg:$0x3] =	wrdreg s5  }
0xaa: {  	[dreg:$0x4] =	wrdreg $0xC0  }
0xab: {  	_ =	task [dreg:s7], $0x5FFFF  }
0xac: {  	[dreg:$0x1] =	wrdreg $0xFFFFFFFF  }
0xad: {  	[dreg:$0x0] =	wrdreg $0x60  }
0xae: {  	[dreg:$0x2] =	wrdreg s2  }
0xaf: {  	[dreg:$0x3] =	wrdreg s24  }
0xb0: {  	[dreg:$0x4] =	wrdreg $0x25400  }
0xb1: {  	[dreg:$0x5] =	wrdreg $0x9  }
0xb2: {  	_ =	task.clear_ibuf [dreg:s7], $0x6FFFF;
	_ =	strace $0x90000046  }
0xb3: {  	s29 =	simm.s32 $0x9;
	_ =	strace $0x80000048  }
0xb4: {  	_ =	swait.ge [sflag:s29], $0x1  }
0xb5: {  	[sflag:s29] =	ssyncadd.s32 $0xFFFFFFFF  }
0xb6: {  	_ =	strace $0x90000048  }
0xb7: {  	_ =	sfence  }
0xb8: {  	s30 =	sld [smem:$0x0];
	_ =	sdelay $0x2  }
0xb9: {  	s31 =	sshll.u32 s1, $0xD;
	s1 =	sshrl.u32 s1, $0x2  }
0xba: {  	s3 =	sand.u32 $0x4000, s31;
	s1 =	sadd.s32 s1, s30  }
0xbb: {  	s0 =	sor.u32 s3, s0;
	s1 =	sshll.u32 s1, $0x11  }
0xbc: {  	s0 =	sor.u32 s1, s0  }
0xbd: {  	s0 =	sadd.s32 $0x8F2B, s0  }
0xbe: {  	[sflag:s0] =	ssyncadd.remote.s32 $0x1  }
0xbf: {  	_ =	sfence.sel $0xFFFF  }
0xc0: {  	[dreg:$0x0] =	wrdreg $0xFFFFFFFF;
	(pc) =	sbr.abs _section_cstart, $3  }
0xc1: {  	[dreg:$0x1] =	wrdreg $0xFFFFFFFF  }
0xc2: {  	_ =	task.clear_ibuf [dreg:s7], $0x2FFFF;
	_ =	strace $0x9FFFFFFF  }
0xc3: {  	(tm) =	ssettm $0x7FFFFFFF  }
tec
execute0_lowered:
.L_overlay_start_1:
0x0: {  	(tag) =	ssettag $0x1  }
0x1: {  	s1 =	rddreg [dreg:$0x0]  }
0x2: {  	s0 =	rddreg [dreg:$0x1]  }
0x3: {  	s2 =	rddreg [dreg:$0x2]  }
0x4: {  	s3 =	simm.s32 $0x0;
	s4 =	srdreg.scid;
	s10 =	stileid.u32  }
0x5: {  	s28 =	simm.s32 $0x1900;
	s29 =	simm.s32 $0x80;
	s26 =	smul.u32 $0xC40, s10  }
0x6: {  	s30 =	simm.s32 $0x1;
	s31 =	simm.s32 $0x0;
	s18 =	smul.u32 $0x6200, s10  }
0x7: {  	[smem:$0x7FF] =	sst s3;
	s4 =	sand.u32 $0x1, s4;
	s10 =	smul.u32 $0x18800, s10  }
0x8: {  	s6 =	sadd.s32 $0x1200, s0;
	s7 =	sadd.s32 $0x1000, s0;
	s5 =	smul.u32 $0x62000, s4  }
0x9: {  	_ =	strace $0x80000047;
	[dreg:$0x4] =	wrdreg s6;
	s4 =	ssub.s32 $0x2, s4  }
0xa: {  	[dreg:$0x5] =	wrdreg s7;
	s9 =	sshrl.u32 s4, $0x1;
	s19 =	sshrl.u32 s10, $0x2  }
0xb: {  	s20 =	sadd.s32 $0x188, s26;
	s22 =	sadd.s32 $0x310, s26;
	s25 =	sadd.s32 $0x498, s26  }
0xc: {  	s17 =	sadd.s32 $0x620, s26;
	s23 =	sadd.s32 $0x930, s26;
	s24 =	sadd.s32 $0xAB8, s26  }
0xd: {  	s8 =	sshrl.u32 s5, $0x3;
	s4 =	ssub.s32 s4, s9;
	s7 =	sadd.s32 s18, s5  }
0xe: {  	s21 =	sshll.u32 s20, $0x3;
	s11 =	sshll.u32 s22, $0x3;
	s12 =	sshll.u32 s25, $0x3  }
0xf: {  	s13 =	sshll.u32 s17, $0x3;
	s18 =	sadd.s32 $0x7A8, s26;
	s15 =	sshll.u32 s23, $0x3  }
0x10: {  	s16 =	sshll.u32 s24, $0x3;
	s0 =	sadd.s32 s8, s0;
	s8 =	sadd.s32 s19, s2  }
0x11: {  	s4 =	smax.u32 s4, $0x1;
	s10 =	sadd.s32 s21, s2;
	s11 =	sadd.s32 s11, s2  }
0x12: {  	s12 =	sadd.s32 s12, s2;
	s13 =	sadd.s32 s13, s2;
	s14 =	sshll.u32 s18, $0x3  }
0x13: {  	s15 =	sadd.s32 s15, s2;
	s16 =	sadd.s32 s16, s2;
	s0 =	sadd.s32 $0x1400, s0  }
0x14: {  	[dreg:$0x6] =	wrdreg s4;
	s14 =	sadd.s32 s14, s2;
	s6 =	sadd.s32 s26, s0  }
0x15: {  	s26 =	sadd.s32 s20, s0;
	s4 =	sadd.s32 s22, s0;
	s20 =	sadd.s32 s25, s0  }
0x16: {  	s21 =	sadd.s32 s17, s0;
	s22 =	sadd.s32 s18, s0;
	[dreg:$0x7] =	wrdreg s6  }
0x17: {  	s23 =	sadd.s32 s23, s0;
	s24 =	sadd.s32 s24, s0;
	[dreg:$0x8] =	wrdreg s26  }
0x18: {  	s25 =	simm.s32 $0x1500;
	[dreg:$0x9] =	wrdreg s4;
	s26 =	simm.s32 $0x2  }
.LBB2_1:
0x19: {  	s0 =	rddreg [dreg:$0x5]  }
0x1a: {  	[tilespmem:s25], [sflag:$0x2] =	stream.linear.gather [hbm4b:s0+s3], $0x400, $0x38;
	[tilespmem:$0x8748] =	vst v63  }
0x1b: {  	_ =	swait.ge [sflag:s26], $0x400  }
0x1c: {  	[sflag:s26] =	ssyncset.done $0x0  }
0x1d: {  	s19 =	rddreg [dreg:$0x4];
	[sflag:s26] =	ssyncadd.s32 $0xFFFFFC00  }
0x1e: {  	[tilespmem:s28], [sflag:$0x2] =	stream.linear.gather [hbm4b:s19+s3], $0xC40, $0x38;
	[tilespmem:$0x8748] =	vst v63  }
0x1f: {  	_ =	swait.ge [sflag:s26], $0xC40  }
0x20: {  	[sflag:s26] =	ssyncset.done $0x0  }
0x21: {  	[sflag:s26] =	ssyncadd.s32 $0xFFFFF3C0  }
0x22: {  	[spmem:s8] =	stream.linear.scatter [tilespmem:s28], [sflag:$0x2], $0xC40, $0x38;
	[tilespmem:$0x8748] =	vst v63  }
0x23: {  	_ =	swait.ge [sflag:s26], $0xC40  }
0x24: {  	[sflag:s26] =	ssyncset.done $0x0  }
0x25: {  	[sflag:s26] =	ssyncadd.s32 $0xFFFFF3C0  }
0x26: {  	[spmem:s10] =	stream.linear.scatter [tilespmem:s28], [sflag:$0x2], $0xC40, $0x38;
	[tilespmem:$0x8748] =	vst v63  }
0x27: {  	_ =	swait.ge [sflag:s26], $0xC40  }
0x28: {  	[sflag:s26] =	ssyncset.done $0x0  }
0x29: {  	[sflag:s26] =	ssyncadd.s32 $0xFFFFF3C0  }
0x2a: {  	[spmem:s11] =	stream.linear.scatter [tilespmem:s28], [sflag:$0x2], $0xC40, $0x38;
	[tilespmem:$0x8748] =	vst v63  }
0x2b: {  	_ =	swait.ge [sflag:s26], $0xC40  }
0x2c: {  	[sflag:s26] =	ssyncset.done $0x0  }
0x2d: {  	[sflag:s26] =	ssyncadd.s32 $0xFFFFF3C0  }
0x2e: {  	[spmem:s12] =	stream.linear.scatter [tilespmem:s28], [sflag:$0x2], $0xC40, $0x38;
	[tilespmem:$0x8748] =	vst v63  }
0x2f: {  	_ =	swait.ge [sflag:s26], $0xC40  }
0x30: {  	[sflag:s26] =	ssyncset.done $0x0  }
0x31: {  	[sflag:s26] =	ssyncadd.s32 $0xFFFFF3C0  }
0x32: {  	[spmem:s13] =	stream.linear.scatter [tilespmem:s28], [sflag:$0x2], $0xC40, $0x38;
	[tilespmem:$0x8748] =	vst v63  }
0x33: {  	_ =	swait.ge [sflag:s26], $0xC40  }
0x34: {  	[sflag:s26] =	ssyncset.done $0x0  }
0x35: {  	[sflag:s26] =	ssyncadd.s32 $0xFFFFF3C0  }
0x36: {  	[spmem:s14] =	stream.linear.scatter [tilespmem:s28], [sflag:$0x2], $0xC40, $0x38;
	[tilespmem:$0x8748] =	vst v63  }
0x37: {  	_ =	swait.ge [sflag:s26], $0xC40  }
0x38: {  	[sflag:s26] =	ssyncset.done $0x0  }
0x39: {  	[sflag:s26] =	ssyncadd.s32 $0xFFFFF3C0  }
0x3a: {  	[spmem:s15] =	stream.linear.scatter [tilespmem:s28], [sflag:$0x2], $0xC40, $0x38;
	[tilespmem:$0x8748] =	vst v63  }
0x3b: {  	_ =	swait.ge [sflag:s26], $0xC40  }
0x3c: {  	[sflag:s26] =	ssyncset.done $0x0  }
0x3d: {  	[sflag:s26] =	ssyncadd.s32 $0xFFFFF3C0  }
0x3e: {  	[spmem:s16] =	stream.linear.scatter [tilespmem:s28], [sflag:$0x2], $0xC40, $0x38;
	[tilespmem:$0x8748] =	vst v63  }
0x3f: {  	_ =	swait.ge [sflag:s26], $0xC40  }
0x40: {  	[sflag:s26] =	ssyncset.done $0x0  }
0x41: {  	[sflag:s26] =	ssyncadd.s32 $0xFFFFF3C0  }
0x42: {  	s0 =	simm.s32 $0x0;
	[bflag:$0x0] =	sbarrier.arrive $0xFFFF  }
.LBB2_2:
0x43: {  	s4 =	smul.u32 $0x700, s0;
	_ =	sdelay $0x1  }
0x44: {  	s4 =	sadd.s32 s4, s7  }
0x45: {  	s4 =	sshrl.u32 s4, $0x3  }
0x46: {  	s4 =	sadd.s32 s1, s4  }
0x47: {  	[tilespmem:s3], [sflag:$0x2] =	stream.linear.gather [hbm4b:s4+s3], $0x700, $0x38;
	[tilespmem:$0x8748] =	vst v63  }
0x48: {  	_ =	swait.ge [sflag:s26], $0x700  }
0x49: {  	p0 =	slt.u32 s0, $0x2;
	[sflag:s26] =	ssyncset.done $0x0  }
0x4a: {  	s5 =	simm.s32 @!p0 $0x1;
	[sflag:s26] =	ssyncadd.s32 $0xFFFFF900  }
0x4b: {  	_ =	swait.ge @!p0 [sflag:s5], $0x400  }
0x4c: {  	[sflag:s5] =	ssyncset.done @!p0 $0x0  }
0x4d: {  	[sflag:s5] =	ssyncadd.s32 @!p0 $0xFFFFFC00  }
0x4e: {  	_ =	swait.ge @!p0 [sflag:s5], $0x400  }
0x4f: {  	[sflag:s5] =	ssyncset.done @!p0 $0x0  }
0x50: {  	[sflag:s5] =	ssyncadd.s32 @!p0 $0xFFFFFC00  }
0x51: {  	_ =	swait.ge @!p0 [sflag:s5], $0x400  }
0x52: {  	[sflag:s5] =	ssyncset.done @!p0 $0x0  }
0x53: {  	[sflag:s5] =	ssyncadd.s32 @!p0 $0xFFFFFC00  }
0x54: {  	_ =	swait.ge @!p0 [sflag:s5], $0x400  }
0x55: {  	[sflag:s5] =	ssyncset.done @!p0 $0x0  }
0x56: {  	[sflag:s5] =	ssyncadd.s32 @!p0 $0xFFFFFC00  }
0x57: {  	_ =	swait.ge @!p0 [sflag:s5], $0x400  }
0x58: {  	[sflag:s5] =	ssyncset.done @!p0 $0x0  }
0x59: {  	[sflag:s5] =	ssyncadd.s32 @!p0 $0xFFFFFC00  }
0x5a: {  	_ =	swait.ge @!p0 [sflag:s5], $0x400  }
0x5b: {  	[sflag:s5] =	ssyncset.done @!p0 $0x0  }
0x5c: {  	[sflag:s5] =	ssyncadd.s32 @!p0 $0xFFFFFC00  }
0x5d: {  	_ =	swait.ge @!p0 [sflag:s5], $0x400  }
0x5e: {  	[sflag:s5] =	ssyncset.done @!p0 $0x0  }
0x5f: {  	[sflag:s5] =	ssyncadd.s32 @!p0 $0xFFFFFC00  }
0x60: {  	_ =	swait.ge @!p0 [sflag:s5], $0x400  }
0x61: {  	[sflag:s5] =	ssyncset.done @!p0 $0x0  }
0x62: {  	[sflag:s5] =	ssyncadd.s32 @!p0 $0xFFFFFC00  }
0x63: {  	_ =	swait.ge @!p0 [sflag:s5], $0x400  }
0x64: {  	[sflag:s5] =	ssyncset.done @!p0 $0x0  }
0x65: {  	[sflag:s5] =	ssyncadd.s32 @!p0 $0xFFFFFC00  }
0x66: {  	_ =	swait.ge @!p0 [sflag:s5], $0x400  }
0x67: {  	[sflag:s5] =	ssyncset.done @!p0 $0x0  }
0x68: {  	[sflag:s5] =	ssyncadd.s32 @!p0 $0xFFFFFC00  }
0x69: {  	_ =	swait.ge @!p0 [sflag:s5], $0x400  }
0x6a: {  	[sflag:s5] =	ssyncset.done @!p0 $0x0  }
0x6b: {  	[sflag:s5] =	ssyncadd.s32 @!p0 $0xFFFFFC00  }
0x6c: {  	_ =	swait.ge @!p0 [sflag:s5], $0x400  }
0x6d: {  	[sflag:s5] =	ssyncset.done @!p0 $0x0  }
0x6e: {  	[sflag:s5] =	ssyncadd.s32 @!p0 $0xFFFFFC00  }
0x6f: {  	_ =	swait.ge @!p0 [sflag:s5], $0x400  }
0x70: {  	s19 =	sand.u32 $0x1, s0;
	[sflag:s5] =	ssyncset.done @!p0 $0x0  }
0x71: {  	s6 =	simm.s32 $0x0;
	s18 =	simm.s32 $0x0;
	[sflag:s5] =	ssyncadd.s32 @!p0 $0xFFFFFC00  }
0x72: {  	p1 =	seq.s32 s19, $0x1;
	s4 =	simm.s32 $0x700;
	_ =	swait.ge @!p0 [sflag:s5], $0x400  }
0x73: {  	s17 =	simm.s32 $0x10;
	s4 =	simm.s32 @!p1 $0x0;
	[sflag:s5] =	ssyncset.done @!p0 $0x0  }
0x74: {  	s9 =	simm.s32 $0x0;
	[sflag:s5] =	ssyncadd.s32 @!p0 $0xFFFFFC00;
	s5 =	sadd.s32 $0x700, s4  }
.LBB2_3:
0x75: {  	p0 =	seq.s32 s17, $0x6F0;
	v0 =	vld [tilespmem:s18+$0x0];
	_ =	sdelay $0x2  }
.Ltmp0:
0x76: {  	s18 =	sand.u32 $0x1E00, s6;
	(pc) =	sbr.rel @!p0 .LBB2_3-.Ltmp0, $4  }
0x77: {  	s18 =	sshrl.u32 s18, $0x2  }
0x78: {  	s19 =	sand.u32 $0x70, s9;
	s9 =	smov.u32 s17;
	s18 =	sadd.s32 s18, s5;
	vm0 =	vgt.s32 v0, $0xFFFFFFFF  }
0x79: {  	s6 =	sadd.s32 $0x40, s6;
	s19 =	sadd.s32 s19, s18;
	v0 =	vnsel vm0, $0xC400, v0  }
0x7a: {  	s17 =	sadd.s32 $0x10, s17;
	s18 =	sshra.s32 s6, $0x2;
	[tilespmem:s19+$0x0] =	vst v0  }
0x7b: {  	v0 =	vld [tilespmem:s18+$0x0];
	_ =	sdelay $0x2  }
0x7c: {  	s6 =	sand.u32 $0x1E00, s6  }
0x7d: {  	s6 =	sshrl.u32 s6, $0x2  }
0x7e: {  	s9 =	sand.u32 $0x70, s9;
	s6 =	sadd.s32 s6, s5;
	vm0 =	vgt.s32 v0, $0xFFFFFFFF  }
0x7f: {  	s6 =	sadd.s32 s9, s6;
	v0 =	vnsel vm0, $0xC400, v0  }
0x80: {  	[tilespmem:s6+$0x0] =	vst v0  }
0x81: {  	[spmem:s2] =	stream.indirect.scatter.add.f32 [tilespmem:s25], [sflag:$0x1], $0x8, s5, s29, $0xb8;
	[tilespmem:$0x8748] =	vst v63  }
0x82: {  	s17 =	sadd.s32 $0x780, s4  }
0x83: {  	[spmem:s2] =	stream.indirect.scatter.add.f32 [tilespmem:s25], [sflag:$0x1], $0x8, s17, s29, $0xb8;
	[tilespmem:$0x8748] =	vst v63  }
0x84: {  	s18 =	sor.u32 $0x800, s4  }
0x85: {  	[spmem:s2] =	stream.indirect.scatter.add.f32 [tilespmem:s25], [sflag:$0x1], $0x8, s18, s29, $0xb8;
	[tilespmem:$0x8748] =	vst v63  }
0x86: {  	s19 =	sadd.s32 $0x880, s4  }
0x87: {  	[spmem:s2] =	stream.indirect.scatter.add.f32 [tilespmem:s25], [sflag:$0x1], $0x8, s19, s29, $0xb8;
	[tilespmem:$0x8748] =	vst v63  }
0x88: {  	s6 =	sadd.s32 $0x900, s4  }
0x89: {  	[spmem:s2] =	stream.indirect.scatter.add.f32 [tilespmem:s25], [sflag:$0x1], $0x8, s6, s29, $0xb8;
	[tilespmem:$0x8748] =	vst v63  }
0x8a: {  	s9 =	sadd.s32 $0x980, s4  }
0x8b: {  	[spmem:s2] =	stream.indirect.scatter.add.f32 [tilespmem:s25], [sflag:$0x1], $0x8, s9, s29, $0xb8;
	[tilespmem:$0x8748] =	vst v63  }
0x8c: {  	s17 =	sadd.s32 $0xA00, s4  }
0x8d: {  	[spmem:s2] =	stream.indirect.scatter.add.f32 [tilespmem:s25], [sflag:$0x1], $0x8, s17, s29, $0xb8;
	[tilespmem:$0x8748] =	vst v63  }
0x8e: {  	s18 =	sadd.s32 $0xA80, s4  }
0x8f: {  	[spmem:s2] =	stream.indirect.scatter.add.f32 [tilespmem:s25], [sflag:$0x1], $0x8, s18, s29, $0xb8;
	[tilespmem:$0x8748] =	vst v63  }
0x90: {  	s19 =	sadd.s32 $0xB00, s4  }
0x91: {  	[spmem:s2] =	stream.indirect.scatter.add.f32 [tilespmem:s25], [sflag:$0x1], $0x8, s19, s29, $0xb8;
	[tilespmem:$0x8748] =	vst v63  }
0x92: {  	s6 =	sadd.s32 $0xB80, s4  }
0x93: {  	[spmem:s2] =	stream.indirect.scatter.add.f32 [tilespmem:s25], [sflag:$0x1], $0x8, s6, s29, $0xb8;
	[tilespmem:$0x8748] =	vst v63  }
0x94: {  	s0 =	sadd.s32 $0x1, s0;
	s9 =	sadd.s32 $0xC00, s4  }
0x95: {  	[spmem:s2] =	stream.indirect.scatter.add.f32 [tilespmem:s25], [sflag:$0x1], $0x8, s9, s29, $0xb8;
	[tilespmem:$0x8748] =	vst v63  }
0x96: {  	p0 =	seq.s32 s0, $0xE;
	s17 =	sadd.s32 $0xC80, s4  }
0x97: {  	[spmem:s2] =	stream.indirect.scatter.add.f32 [tilespmem:s25], [sflag:$0x1], $0x8, s17, s29, $0xb8;
	[tilespmem:$0x8748] =	vst v63  }
.Ltmp1:
0x98: {  	_ = 	snop;
	(pc) =	sbr.rel @!p0 .LBB2_2-.Ltmp1, $4  }
0x99: {  	s18 =	sadd.s32 $0xD00, s4  }
0x9a: {  	[spmem:s2] =	stream.indirect.scatter.add.f32 [tilespmem:s25], [sflag:$0x1], $0x8, s18, s29, $0xb8;
	[tilespmem:$0x8748] =	vst v63  }
0x9b: {  	s19 =	sadd.s32 $0xD80, s4  }
0x9c: {  	[spmem:s2] =	stream.indirect.scatter.add.f32 [tilespmem:s25], [sflag:$0x1], $0x8, s19, s29, $0xb8;
	[tilespmem:$0x8748] =	vst v63  }
0x9d: {  	_ =	swait.ge [sflag:s30], $0x400  }
0x9e: {  	[sflag:s30] =	ssyncset.done $0x0  }
0x9f: {  	[sflag:s30] =	ssyncadd.s32 $0xFFFFFC00  }
0xa0: {  	_ =	swait.ge [sflag:s30], $0x400  }
0xa1: {  	[sflag:s30] =	ssyncset.done $0x0  }
0xa2: {  	[sflag:s30] =	ssyncadd.s32 $0xFFFFFC00  }
0xa3: {  	_ =	swait.ge [sflag:s30], $0x400  }
0xa4: {  	[sflag:s30] =	ssyncset.done $0x0  }
0xa5: {  	[sflag:s30] =	ssyncadd.s32 $0xFFFFFC00  }
0xa6: {  	_ =	swait.ge [sflag:s30], $0x400  }
0xa7: {  	[sflag:s30] =	ssyncset.done $0x0  }
0xa8: {  	[sflag:s30] =	ssyncadd.s32 $0xFFFFFC00  }
0xa9: {  	_ =	swait.ge [sflag:s30], $0x400  }
0xaa: {  	[sflag:s30] =	ssyncset.done $0x0  }
0xab: {  	[sflag:s30] =	ssyncadd.s32 $0xFFFFFC00  }
0xac: {  	_ =	swait.ge [sflag:s30], $0x400  }
0xad: {  	[sflag:s30] =	ssyncset.done $0x0  }
0xae: {  	[sflag:s30] =	ssyncadd.s32 $0xFFFFFC00  }
0xaf: {  	_ =	swait.ge [sflag:s30], $0x400  }
0xb0: {  	[sflag:s30] =	ssyncset.done $0x0  }
0xb1: {  	[sflag:s30] =	ssyncadd.s32 $0xFFFFFC00  }
0xb2: {  	_ =	swait.ge [sflag:s30], $0x400  }
0xb3: {  	[sflag:s30] =	ssyncset.done $0x0  }
0xb4: {  	[sflag:s30] =	ssyncadd.s32 $0xFFFFFC00  }
0xb5: {  	_ =	swait.ge [sflag:s30], $0x400  }
0xb6: {  	[sflag:s30] =	ssyncset.done $0x0  }
0xb7: {  	[sflag:s30] =	ssyncadd.s32 $0xFFFFFC00  }
0xb8: {  	_ =	swait.ge [sflag:s30], $0x400  }
0xb9: {  	[sflag:s30] =	ssyncset.done $0x0  }
0xba: {  	[sflag:s30] =	ssyncadd.s32 $0xFFFFFC00  }
0xbb: {  	_ =	swait.ge [sflag:s30], $0x400  }
0xbc: {  	[sflag:s30] =	ssyncset.done $0x0  }
0xbd: {  	[sflag:s30] =	ssyncadd.s32 $0xFFFFFC00  }
0xbe: {  	_ =	swait.ge [sflag:s30], $0x400  }
0xbf: {  	[sflag:s30] =	ssyncset.done $0x0  }
0xc0: {  	[sflag:s30] =	ssyncadd.s32 $0xFFFFFC00  }
0xc1: {  	_ =	swait.ge [sflag:s30], $0x400  }
0xc2: {  	[sflag:s30] =	ssyncset.done $0x0  }
0xc3: {  	[sflag:s30] =	ssyncadd.s32 $0xFFFFFC00  }
0xc4: {  	_ =	swait.ge [sflag:s30], $0x400  }
0xc5: {  	[sflag:s30] =	ssyncset.done $0x0  }
0xc6: {  	[sflag:s30] =	ssyncadd.s32 $0xFFFFFC00  }
0xc7: {  	_ =	swait.ge [sflag:s30], $0x400  }
0xc8: {  	[sflag:s30] =	ssyncset.done $0x0  }
0xc9: {  	[sflag:s30] =	ssyncadd.s32 $0xFFFFFC00  }
0xca: {  	_ =	swait.ge [sflag:s30], $0x400  }
0xcb: {  	[sflag:s30] =	ssyncset.done $0x0  }
0xcc: {  	[sflag:s30] =	ssyncadd.s32 $0xFFFFFC00  }
0xcd: {  	_ =	swait.ge [sflag:s30], $0x400  }
0xce: {  	[sflag:s30] =	ssyncset.done $0x0  }
0xcf: {  	[sflag:s30] =	ssyncadd.s32 $0xFFFFFC00  }
0xd0: {  	_ =	swait.ge [sflag:s30], $0x400  }
0xd1: {  	[sflag:s30] =	ssyncset.done $0x0  }
0xd2: {  	[sflag:s30] =	ssyncadd.s32 $0xFFFFFC00  }
0xd3: {  	_ =	swait.ge [sflag:s30], $0x400  }
0xd4: {  	[sflag:s30] =	ssyncset.done $0x0  }
0xd5: {  	[sflag:s30] =	ssyncadd.s32 $0xFFFFFC00  }
0xd6: {  	_ =	swait.ge [sflag:s30], $0x400  }
0xd7: {  	[sflag:s30] =	ssyncset.done $0x0  }
0xd8: {  	[sflag:s30] =	ssyncadd.s32 $0xFFFFFC00  }
0xd9: {  	_ =	swait.ge [sflag:s30], $0x400  }
0xda: {  	[sflag:s30] =	ssyncset.done $0x0  }
0xdb: {  	[sflag:s30] =	ssyncadd.s32 $0xFFFFFC00  }
0xdc: {  	_ =	swait.ge [sflag:s30], $0x400  }
0xdd: {  	[sflag:s30] =	ssyncset.done $0x0  }
0xde: {  	[sflag:s30] =	ssyncadd.s32 $0xFFFFFC00  }
0xdf: {  	_ =	swait.ge [sflag:s30], $0x400  }
0xe0: {  	[sflag:s30] =	ssyncset.done $0x0  }
0xe1: {  	[sflag:s30] =	ssyncadd.s32 $0xFFFFFC00  }
0xe2: {  	_ =	swait.ge [sflag:s30], $0x400  }
0xe3: {  	[sflag:s30] =	ssyncset.done $0x0  }
0xe4: {  	[sflag:s30] =	ssyncadd.s32 $0xFFFFFC00  }
0xe5: {  	_ =	swait.ge [sflag:s30], $0x400  }
0xe6: {  	[sflag:s30] =	ssyncset.done $0x0  }
0xe7: {  	[sflag:s30] =	ssyncadd.s32 $0xFFFFFC00  }
0xe8: {  	_ =	swait.ge [sflag:s30], $0x400  }
0xe9: {  	[sflag:s30] =	ssyncset.done $0x0  }
0xea: {  	[sflag:s30] =	ssyncadd.s32 $0xFFFFFC00  }
0xeb: {  	_ =	swait.ge [sflag:s30], $0x400  }
0xec: {  	[sflag:s30] =	ssyncset.done $0x0  }
0xed: {  	[sflag:s30] =	ssyncadd.s32 $0xFFFFFC00  }
0xee: {  	_ =	swait.ge [sflag:s30], $0x400  }
0xef: {  	[sflag:s30] =	ssyncset.done $0x0  }
0xf0: {  	[sflag:s30] =	ssyncadd.s32 $0xFFFFFC00  }
0xf1: {  	[bflag:$0x0] =	sbarrier.arrive $0xFFFF  }
0xf2: {  	[tilespmem:s28], [sflag:$0x2] =	stream.linear.gather [spmem:s8], $0xC40, $0x38;
	[tilespmem:$0x8748] =	vst v63  }
0xf3: {  	_ =	swait.ge [sflag:s26], $0xC40  }
0xf4: {  	[sflag:s26] =	ssyncset.done $0x0  }
0xf5: {  	s0 =	rddreg [dreg:$0x7];
	[sflag:s26] =	ssyncadd.s32 $0xFFFFF3C0  }
0xf6: {  	[hbm4b:s0+s3] =	stream.linear.scatter [tilespmem:s28], [sflag:$0x2], $0xC40, $0x38;
	[tilespmem:$0x8748] =	vst v63  }
0xf7: {  	_ =	swait.ge [sflag:s26], $0xC40  }
0xf8: {  	[sflag:s26] =	ssyncset.done $0x0  }
0xf9: {  	[sflag:s26] =	ssyncadd.s32 $0xFFFFF3C0  }
0xfa: {  	[tilespmem:s28], [sflag:$0x2] =	stream.linear.gather [spmem:s10], $0xC40, $0x38;
	[tilespmem:$0x8748] =	vst v63  }
0xfb: {  	_ =	swait.ge [sflag:s26], $0xC40  }
0xfc: {  	[sflag:s26] =	ssyncset.done $0x0  }
0xfd: {  	s17 =	rddreg [dreg:$0x8];
	[sflag:s26] =	ssyncadd.s32 $0xFFFFF3C0  }
0xfe: {  	[hbm4b:s17+s3] =	stream.linear.scatter [tilespmem:s28], [sflag:$0x2], $0xC40, $0x38;
	[tilespmem:$0x8748] =	vst v63  }
0xff: {  	_ =	swait.ge [sflag:s26], $0xC40  }
0x100: {  	[sflag:s26] =	ssyncset.done $0x0  }
0x101: {  	[sflag:s26] =	ssyncadd.s32 $0xFFFFF3C0  }
0x102: {  	[tilespmem:s28], [sflag:$0x2] =	stream.linear.gather [spmem:s11], $0xC40, $0x38;
	[tilespmem:$0x8748] =	vst v63  }
0x103: {  	_ =	swait.ge [sflag:s26], $0xC40  }
0x104: {  	[sflag:s26] =	ssyncset.done $0x0  }
0x105: {  	s18 =	rddreg [dreg:$0x9];
	[sflag:s26] =	ssyncadd.s32 $0xFFFFF3C0  }
0x106: {  	[hbm4b:s18+s3] =	stream.linear.scatter [tilespmem:s28], [sflag:$0x2], $0xC40, $0x38;
	[tilespmem:$0x8748] =	vst v63  }
0x107: {  	_ =	swait.ge [sflag:s26], $0xC40  }
0x108: {  	[sflag:s26] =	ssyncset.done $0x0  }
0x109: {  	[sflag:s26] =	ssyncadd.s32 $0xFFFFF3C0  }
0x10a: {  	[tilespmem:s28], [sflag:$0x2] =	stream.linear.gather [spmem:s12], $0xC40, $0x38;
	[tilespmem:$0x8748] =	vst v63  }
0x10b: {  	_ =	swait.ge [sflag:s26], $0xC40  }
0x10c: {  	[sflag:s26] =	ssyncset.done $0x0  }
0x10d: {  	[sflag:s26] =	ssyncadd.s32 $0xFFFFF3C0  }
0x10e: {  	[hbm4b:s20+s3] =	stream.linear.scatter [tilespmem:s28], [sflag:$0x2], $0xC40, $0x38;
	[tilespmem:$0x8748] =	vst v63  }
0x10f: {  	_ =	swait.ge [sflag:s26], $0xC40  }
0x110: {  	[sflag:s26] =	ssyncset.done $0x0  }
0x111: {  	[sflag:s26] =	ssyncadd.s32 $0xFFFFF3C0  }
0x112: {  	[tilespmem:s28], [sflag:$0x2] =	stream.linear.gather [spmem:s13], $0xC40, $0x38;
	[tilespmem:$0x8748] =	vst v63  }
0x113: {  	_ =	swait.ge [sflag:s26], $0xC40  }
0x114: {  	[sflag:s26] =	ssyncset.done $0x0  }
0x115: {  	[sflag:s26] =	ssyncadd.s32 $0xFFFFF3C0  }
0x116: {  	[hbm4b:s21+s3] =	stream.linear.scatter [tilespmem:s28], [sflag:$0x2], $0xC40, $0x38;
	[tilespmem:$0x8748] =	vst v63  }
0x117: {  	_ =	swait.ge [sflag:s26], $0xC40  }
0x118: {  	[sflag:s26] =	ssyncset.done $0x0  }
0x119: {  	[sflag:s26] =	ssyncadd.s32 $0xFFFFF3C0  }
0x11a: {  	[tilespmem:s28], [sflag:$0x2] =	stream.linear.gather [spmem:s14], $0xC40, $0x38;
	[tilespmem:$0x8748] =	vst v63  }
0x11b: {  	_ =	swait.ge [sflag:s26], $0xC40  }
0x11c: {  	[sflag:s26] =	ssyncset.done $0x0  }
0x11d: {  	[sflag:s26] =	ssyncadd.s32 $0xFFFFF3C0  }
0x11e: {  	[hbm4b:s22+s3] =	stream.linear.scatter [tilespmem:s28], [sflag:$0x2], $0xC40, $0x38;
	[tilespmem:$0x8748] =	vst v63  }
0x11f: {  	_ =	swait.ge [sflag:s26], $0xC40  }
0x120: {  	[sflag:s26] =	ssyncset.done $0x0  }
0x121: {  	[sflag:s26] =	ssyncadd.s32 $0xFFFFF3C0  }
0x122: {  	[tilespmem:s28], [sflag:$0x2] =	stream.linear.gather [spmem:s15], $0xC40, $0x38;
	[tilespmem:$0x8748] =	vst v63  }
0x123: {  	_ =	swait.ge [sflag:s26], $0xC40  }
0x124: {  	[sflag:s26] =	ssyncset.done $0x0  }
0x125: {  	[sflag:s26] =	ssyncadd.s32 $0xFFFFF3C0  }
0x126: {  	[hbm4b:s23+s3] =	stream.linear.scatter [tilespmem:s28], [sflag:$0x2], $0xC40, $0x38;
	[tilespmem:$0x8748] =	vst v63  }
0x127: {  	_ =	swait.ge [sflag:s26], $0xC40  }
0x128: {  	[sflag:s26] =	ssyncset.done $0x0  }
0x129: {  	[sflag:s26] =	ssyncadd.s32 $0xFFFFF3C0  }
0x12a: {  	[tilespmem:s28], [sflag:$0x2] =	stream.linear.gather [spmem:s16], $0xC40, $0x38;
	[tilespmem:$0x8748] =	vst v63  }
0x12b: {  	_ =	swait.ge [sflag:s26], $0xC40  }
0x12c: {  	[sflag:s26] =	ssyncset.done $0x0  }
0x12d: {  	[sflag:s26] =	ssyncadd.s32 $0xFFFFF3C0  }
0x12e: {  	[hbm4b:s24+s3] =	stream.linear.scatter [tilespmem:s28], [sflag:$0x2], $0xC40, $0x38;
	[tilespmem:$0x8748] =	vst v63  }
0x12f: {  	_ =	swait.ge [sflag:s26], $0xC40  }
0x130: {  	s31 =	sadd.s32 $0x1, s31;
	s19 =	rddreg [dreg:$0x6]  }
0x131: {  	p0 =	sne.s32 s31, s19  }
.Ltmp2:
0x132: {  	_ = 	snop;
	(pc) =	sbr.rel @p0 .LBB2_1-.Ltmp2, $3  }
0x133: {  	_ =	sdelay $0x1  }
0x134: {  	[sflag:s26] =	ssyncset.done $0x0  }
0x135: {  	[sflag:s26] =	ssyncadd.s32 $0xFFFFF3C0  }
0x136: {  	_ =	sfence.sel $0x180000  }
0x137: {  	[bflag:$0x0] =	sbarrier.arrive $0xFFFF  }
0x138: {  	_ =	strace $0x90000047  }
0x139: {  	s0 =	stileid.u32;
	[bflag:$0x2] =	sbarrier.arrive $0xFFFF  }
0x13a: {  	p0 =	sne.s32 s0, $0x0;
	s0 =	rddreg [dreg:$0x3]  }
0x13b: {  	s0 =	sadd.s32 @!p0 $0x100000, s0  }
0x13c: {  	[sflag:s0] =	ssyncadd.tile.s32 @!p0 $0x1;
	_ =	shalt  }
.Lfunc_end2:
_tile_overlayer_lowered:
.L_overlay_start_2:
0x13d: {  	(tag) =	ssettag $0x2  }
0x13e: {  	s0 =	rddreg [dreg:$0x0];
	s2 =	stileid.u32  }
0x13f: {  	s1 =	rddreg [dreg:$0x1];
	p0 =	sne.s32 s2, $0x0  }
0x140: {  	s3 =	rddreg [dreg:$0x2];
	[bflag:$0x3] =	sbarrier.arrive $0xFFFF;
	s2 =	simm.s32 @!p0 $0x1C02  }
0x141: {  	[timem:s3], [sflag:s2] =	dma.local @!p0 [hbm:s0], s1  }
0x142: {  	s0 =	simm.s32 @!p0 $0x2  }
0x143: {  	_ =	swait.ge @!p0 [sflag:s0], s1  }
0x144: {  	s1 =	ssub.s32 @!p0 $0x0, s1;
	[sflag:s0] =	ssyncset.done @!p0 $0x0  }
0x145: {  	[sflag:s0] =	ssyncadd.s32 @!p0 s1  }
0x146: {  	[bflag:$0x3] =	sbarrier.arrive $0xFFFF  }
0x147: {  	_ =	shalt  }

// kernel: kernel.9.cloned.1.call-start
scs
__scs_entry_jumppad:
0x0: {  	(pc) =	sbr.rel $0x88, $3  }
0x1: {  	(tag) =	ssettag $0x0;
	lr =	simm.s32 $0x1  }
0x2: {  	[smem:$0x3F9D] =	sst lr;
	_ =	strace $0xD0000000  }
0x3: {  	_ = 	snop  }
0x4: {  	_ = 	snop  }
0x5: {  	_ = 	snop  }
0x6: {  	_ = 	snop  }
0x7: {  	_ = 	snop  }
__scs_overlays_trampoline_lowered:
0x8: {  	[smem:$0x3FAC] =	sst s0  }
0x9: {  	[smem:$0x3FAD] =	sst s1  }
0xa: {  	[smem:$0x3FAE] =	sst s2  }
0xb: {  	[smem:$0x3FAF] =	sst s3  }
0xc: {  	[smem:$0x3FB0] =	sst s4  }
0xd: {  	[smem:$0x3FB1] =	sst s5  }
0xe: {  	[smem:$0x3FB2] =	sst s6  }
0xf: {  	[smem:$0x3FB3] =	sst s7  }
0x10: {  	[smem:$0x3FB4] =	sst s8  }
0x11: {  	[smem:$0x3FB5] =	sst s9;
	s0 =	simm.s32 @!p0 $0x0  }
0x12: {  	s1 =	sld [smem:$0x3F9B];
	s0 =	simm.s32 @p0 $0x1  }
0x13: {  	[smem:$0x3FB6] =	sst s0;
	s0 =	simm.s32 @!p1 $0x0  }
0x14: {  	s2 =	sld [smem:$0x3F9A];
	s0 =	simm.s32 @p1 $0x1  }
0x15: {  	[smem:$0x3FB7] =	sst s0;
	s0 =	simm.s32 @!p2 $0x0  }
0x16: {  	s3 =	sld [smem:$0x3FDB];
	s0 =	simm.s32 @p2 $0x1  }
0x17: {  	s4 =	simm.s32 $0x1BF5;
	[smem:$0x3FB9] =	sst s0  }
0x18: {  	s0 =	sld [smem:$0x3F9C];
	_ =	swait.ge [sflag:s4], $0x0  }
0x19: {  	s7 =	sld [smem:$0x3F9D]  }
0x1a: {  	s8 =	sadd.s32 $0xFFFFE003, lr  }
0x1b: {  	s9 =	sadd.s32 $0xFFFFFEF7, lr;
	s5 =	simm.s32 $0xFFFFFFFF;
	p2 =	slt.u32 s8, $0xFFFFF086  }
0x1c: {  	p1 =	slt.u32 s9, $0xF7A;
	s5 =	simm.s32 @!p2 $0x0  }
0x1d: {  	s5 =	simm.s32 @p1 $0x1;
	p0 =	seq.s32 s7, s2  }
0x1e: {  	s7 =	smul.u32 @!p0 $0xF7A, s2;
	p2 =	seq.s32 @!p0 s5, $0x0  }
0x1f: {  	s9 =	smul.u32 $0xF7A, s1;
	s8 =	simm.s32 @!p0 $0x1BF5;
	p2 =	por !p2, p0  }
0x20: {  	[sflag:s8] =	ssyncset.s32 @!p0 $0xFFFFF086;
	s6 =	sadd.s32 @!p0 s3, s7;
	s7 =	simm.s32 @!p0 $0x108  }
0x21: {  	s3 =	sadd.s32 s3, s9;
	s6 =	sadd.s32 @!p0 $0x88, s6;
	s7 =	simm.s32 @p2 $0x1082  }
0x22: {  	[simem:s7], [sflag:s8] =	dma.local @!p0 [hbm:s6], $0xF7A  }
0x23: {  	s9 =	sor.u32 $0xD0000000, s2;
	s6 =	simm.s32 $0x108;
	_ =	swait.ge @!p0 [sflag:s8], $0x0  }
0x24: {  	s3 =	sadd.s32 $0x88, s3;
	s6 =	simm.s32 @!p1 $0x1082;
	[sflag:s4] =	ssyncset.s32 $0xFFFFF086  }
0x25: {  	[simem:s6], [sflag:s4] =	dma.local [hbm:s3], $0xF7A  }
0x26: {  	[smem:$0x3F9D] =	sst s1;
	(tag) =	ssettag s2;
	_ =	strace s9  }
0x27: {  	s1 =	sld [smem:$0x3FAD]  }
0x28: {  	s2 =	sld [smem:$0x3FAE]  }
0x29: {  	s4 =	sld [smem:$0x3FB0]  }
0x2a: {  	p0 =	seq.s32 s5, $0x0;
	s5 =	sld [smem:$0x3FB1]  }
0x2b: {  	s6 =	sld [smem:$0x3FB2]  }
0x2c: {  	s7 =	sld [smem:$0x3FB3]  }
0x2d: {  	s3 =	simm.s32 $0x108;
	s8 =	sld [smem:$0x3FB4]  }
0x2e: {  	s3 =	simm.s32 @!p0 $0x1082;
	s9 =	sld [smem:$0x3FB5]  }
0x2f: {  	lr =	sadd.s32 s0, s3;
	s0 =	sld [smem:$0x3FAC]  }
0x30: {  	s3 =	sld [smem:$0x3FAF]  }
0x31: {  	[smem:$0x3FB8] =	sst s10  }
0x32: {  	s10 =	sld [smem:$0x3FB6];
	_ =	sdelay $0x3  }
0x33: {  	p0 =	seq.s32 s10, $0x1;
	s10 =	sld [smem:$0x3FB8];
	_ =	sdelay $0x3  }
0x34: {  	[smem:$0x3FB8] =	sst s10  }
0x35: {  	s10 =	sld [smem:$0x3FB7];
	_ =	sdelay $0x3  }
0x36: {  	p1 =	seq.s32 s10, $0x1;
	s10 =	sld [smem:$0x3FB8];
	_ =	sdelay $0x3  }
0x37: {  	[smem:$0x3FB8] =	sst s10  }
0x38: {  	s10 =	sld [smem:$0x3FB9]  }
0x39: {  	_ = 	snop;
	(pc) =	sbr.ind lr, $3  }
0x3a: {  	_ = 	snop  }
0x3b: {  	_ = 	snop  }
0x3c: {  	p2 =	seq.s32 s10, $0x1;
	s10 =	sld [smem:$0x3FB8]  }
0x3d: {  	_ =	shalt  }
0x3e: {  	_ =	shalt  }
0x3f: {  	_ =	shalt  }
0x40: {  	_ =	shalt  }
0x41: {  	_ =	shalt  }
0x42: {  	_ =	shalt  }
0x43: {  	_ =	shalt  }
0x44: {  	_ =	shalt  }
0x45: {  	_ =	shalt  }
0x46: {  	_ =	shalt  }
0x47: {  	_ =	shalt  }
0x48: {  	_ =	shalt  }
0x49: {  	_ =	shalt  }
0x4a: {  	_ =	shalt  }
0x4b: {  	_ =	shalt  }
0x4c: {  	_ =	shalt  }
0x4d: {  	_ =	shalt  }
0x4e: {  	_ =	shalt  }
0x4f: {  	_ =	shalt  }
0x50: {  	_ =	shalt  }
0x51: {  	_ =	shalt  }
0x52: {  	_ =	shalt  }
0x53: {  	_ =	shalt  }
0x54: {  	_ =	shalt  }
0x55: {  	_ =	shalt  }
0x56: {  	_ =	shalt  }
0x57: {  	_ =	shalt  }
0x58: {  	_ =	shalt  }
0x59: {  	_ =	shalt  }
0x5a: {  	_ =	shalt  }
0x5b: {  	_ =	shalt  }
0x5c: {  	_ =	shalt  }
0x5d: {  	_ =	shalt  }
0x5e: {  	_ =	shalt  }
0x5f: {  	_ =	shalt  }
0x60: {  	_ =	shalt  }
0x61: {  	_ =	shalt  }
0x62: {  	_ =	shalt  }
0x63: {  	_ =	shalt  }
0x64: {  	_ =	shalt  }
0x65: {  	_ =	shalt  }
0x66: {  	_ =	shalt  }
0x67: {  	_ =	shalt  }
0x68: {  	_ =	shalt  }
0x69: {  	_ =	shalt  }
0x6a: {  	_ =	shalt  }
0x6b: {  	_ =	shalt  }
0x6c: {  	_ =	shalt  }
0x6d: {  	_ =	shalt  }
0x6e: {  	_ =	shalt  }
0x6f: {  	_ =	shalt  }
0x70: {  	_ =	shalt  }
0x71: {  	_ =	shalt  }
0x72: {  	_ =	shalt  }
0x73: {  	_ =	shalt  }
0x74: {  	_ =	shalt  }
0x75: {  	_ =	shalt  }
0x76: {  	_ =	shalt  }
0x77: {  	_ =	shalt  }
0x78: {  	_ =	shalt  }
0x79: {  	_ =	shalt  }
0x7a: {  	_ =	shalt  }
0x7b: {  	_ =	shalt  }
0x7c: {  	_ =	shalt  }
0x7d: {  	_ =	shalt  }
0x7e: {  	_ =	shalt  }
0x7f: {  	_ =	shalt  }
0x80: {  	_ =	shalt  }
0x81: {  	_ =	shalt  }
0x82: {  	_ =	shalt  }
0x83: {  	_ =	shalt  }
0x84: {  	_ =	shalt  }
0x85: {  	_ =	shalt  }
0x86: {  	_ =	shalt  }
0x87: {  	_ =	shalt  }
.Lfunc_end0:
.L_simem_size_0:
called_computation.1_lowered:
.L_overlay_start_0:
0x88: {  	s2 =	sld [smem:$0x3FD9]  }
0x89: {  	s3 =	sld [smem:$0x3FFE];
	_ =	sdelay $0x1  }
0x8a: {  	s1 =	srdreg.scid  }
0x8b: {  	s0 =	sand.u32 $0x1, s1  }
0x8c: {  	s17 =	sshll.u32 s0, $0xA;
	s2 =	sadd.s32 s3, s2  }
0x8d: {  	s2 =	sadd.s32 s2, s17  }
0x8e: {  	[smem:$0x3FC4] =	sst s2  }
0x8f: {  	_ = 	snop  }
0x90: {  	s2 =	sld [smem:$0x3FD0];
	(tm) =	ssettm $0x1  }
0x91: {  	s18 =	sld [smem:$0x3FFB];
	_ =	sdelay $0x3  }
0x92: {  	_ =	strace s18  }
0x93: {  	s3 =	sld [smem:$0x3FFC];
	_ =	sdelay $0x3  }
0x94: {  	_ =	strace s3  }
0x95: {  	s3 =	sld [smem:$0x3FFD];
	_ =	sdelay $0x3  }
0x96: {  	_ =	strace s3  }
0x97: {  	_ =	strace $0x8FFFFFFF  }
0x98: {  	s19 =	sld [smem:$0x3FDB];
	_ =	sdelay $0x1  }
0x99: {  	s4 =	simm.s32 $_scs_section_size  }
0x9a: {  	s5 =	simm.s32 $_size__tile_overlayer_lowered;
	s6 =	simm.s32 $_tile_overlayer_lowered  }
0x9b: {  	s22 =	simm.s32 $0x1BFF;
	s21 =	sshll.u32 s6, $0x1;
	s3 =	sadd.s32 s4, s19  }
0x9c: {  	s7 =	simm.s32 $0x0;
	s20 =	sshll.u32 s5, $0x1;
	s5 =	sadd.s32 s21, s3  }
0x9d: {  	[timem:s7], [sflag:s22] =	dma.local [hbm:s5], s20  }
0x9e: {  	_ =	swait.ge [sflag:s22], s20  }
0x9f: {  	s4 =	ssub.s32 $0x0, s20;
	[sflag:s22] =	ssyncset.done $0x0  }
0xa0: {  	[sflag:s22] =	ssyncadd.s32 s4;
	_ =	sdelay $0x1  }
0xa1: {  	s23 =	simm.s32 $0x1B8B  }
0xa2: {  	_ =	swait.ge [sflag:s23], $0x1  }
0xa3: {  	[sflag:s23] =	ssyncset.done $0x0  }
0xa4: {  	s25 =	simm.s32 $0x1B8E;
	s24 =	sld [smem:$0x3FFE];
	[sflag:s23] =	ssyncadd.s32 $0xFFFFFFFF  }
0xa5: {  	s26 =	simm.s32 $execute0_lowered;
	[smem:$0x3FD2] =	sst s25  }
0xa6: {  	s5 =	sshll.u32 s26, $0x1;
	_ =	strace $0x80000049;
	[dreg:$0x1] =	wrdreg $0xFFFFFFFF  }
0xa7: {  	s28 =	simm.s32 $_size_execute0_lowered;
	s3 =	sadd.s32 s3, s5;
	[dreg:$0x0] =	wrdreg $0x0  }
0xa8: {  	s5 =	sshll.u32 s28, $0x1;
	[dreg:$0x2] =	wrdreg s3  }
0xa9: {  	[dreg:$0x3] =	wrdreg s5  }
0xaa: {  	[dreg:$0x4] =	wrdreg $0xC0  }
0xab: {  	_ =	task [dreg:s7], $0x5FFFF  }
0xac: {  	[dreg:$0x1] =	wrdreg $0xFFFFFFFF  }
0xad: {  	[dreg:$0x0] =	wrdreg $0x60  }
0xae: {  	[dreg:$0x2] =	wrdreg s24  }
0xaf: {  	[dreg:$0x3] =	wrdreg s2  }
0xb0: {  	[dreg:$0x4] =	wrdreg $0x5C800  }
0xb1: {  	[dreg:$0x5] =	wrdreg $0x9  }
0xb2: {  	_ =	task.clear_ibuf [dreg:s7], $0x6FFFF;
	_ =	strace $0x90000049  }
0xb3: {  	s29 =	simm.s32 $0x9;
	_ =	strace $0x8000004B  }
0xb4: {  	_ =	swait.ge [sflag:s29], $0x1  }
0xb5: {  	[sflag:s29] =	ssyncadd.s32 $0xFFFFFFFF  }
0xb6: {  	_ =	strace $0x9000004B  }
0xb7: {  	_ =	sfence  }
0xb8: {  	s30 =	sld [smem:$0x0];
	_ =	sdelay $0x2  }
0xb9: {  	s31 =	sshll.u32 s1, $0xD;
	s1 =	sshrl.u32 s1, $0x2  }
0xba: {  	s3 =	sand.u32 $0x4000, s31;
	s1 =	sadd.s32 s1, s30  }
0xbb: {  	s0 =	sor.u32 s3, s0;
	s1 =	sshll.u32 s1, $0x11  }
0xbc: {  	s0 =	sor.u32 s1, s0  }
0xbd: {  	s0 =	sadd.s32 $0x8F2B, s0  }
0xbe: {  	[sflag:s0] =	ssyncadd.remote.s32 $0x1  }
0xbf: {  	_ =	sfence.sel $0xFFFF  }
0xc0: {  	[dreg:$0x0] =	wrdreg $0xFFFFFFFF;
	(pc) =	sbr.abs _section_cstart, $3  }
0xc1: {  	[dreg:$0x1] =	wrdreg $0xFFFFFFFF  }
0xc2: {  	_ =	task.clear_ibuf [dreg:s7], $0x2FFFF;
	_ =	strace $0x9FFFFFFF  }
0xc3: {  	(tm) =	ssettm $0x7FFFFFFF  }
tec
execute0_lowered:
.L_overlay_start_1:
0x0: {  	(tag) =	ssettag $0x1  }
0x1: {  	s8 =	rddreg [dreg:$0x0]  }
0x2: {  	s1 =	rddreg [dreg:$0x1]  }
0x3: {  	s2 =	rddreg [dreg:$0x2]  }
0x4: {  	s0 =	rddreg [dreg:$0x3]  }
0x5: {  	s3 =	simm.s32 $0x0;
	s4 =	srdreg.scid;
	s16 =	simm.s32 $0xE80  }
0x6: {  	s17 =	simm.s32 $0x2E80;
	s18 =	simm.s32 $0x1;
	s19 =	simm.s32 $0xE00  }
0x7: {  	s20 =	simm.s32 $0x2;
	s21 =	simm.s32 $0x0;
	s7 =	sand.u32 $0x1, s4  }
0x8: {  	[smem:$0x7FF] =	sst s3;
	s5 =	sadd.s32 $0x1000, s8;
	s9 =	smul.u32 $0x31000, s7  }
0x9: {  	s4 =	stileid.u32;
	s6 =	sadd.s32 $0xDD200, s8;
	s13 =	smul.u32 $0x6200, s7  }
0xa: {  	_ =	strace $0x8000004A;
	s10 =	ssub.s32 $0x2, s7;
	s11 =	smul.u32 $0x62000, s4  }
0xb: {  	s7 =	sadd.s32 $0x63000, s8;
	s14 =	smul.u32 $0x3100, s4;
	s12 =	sshrl.u32 s10, $0x1  }
0xc: {  	v8 =	vlaneseq.u32;
	s15 =	sadd.s32 s9, s8;
	s29 =	ssub.s32 s10, s12;
	s8 =	smul.u32 $0xC400, s4  }
0xd: {  	v1 =	vor.u32 $0x6200, v8;
	v2 =	vor.u32 $0x6210, v8;
	s30 =	sshrl.u32 s11, $0x2;
	s12 =	simm.s32 $0x4E80;
	v0 =	vmov s13;
	s13 =	simm.s32 $0x3  }
0xe: {  	v3 =	vor.u32 $0x6220, v8;
	v4 =	vor.u32 $0x6230, v8;
	v5 =	vor.u32 $0x6240, v8;
	s9 =	smax.u32 s29, $0x1;
	s31 =	sadd.s32 s14, s15;
	s10 =	sadd.s32 s30, s2  }
0xf: {  	v6 =	vor.u32 $0x6250, v8;
	v7 =	vor.u32 $0x6260, v8;
	v8 =	vor.u32 $0x6270, v8;
	s14 =	simm.s32 $0x700;
	s15 =	simm.s32 $0x80;
	s11 =	sadd.s32 $0x63200, s31  }
.LBB2_1:
0x10: {  	[tilespmem:s12], [sflag:$0x3] =	stream.linear.gather [hbm4b:s7+s3], $0xE00, $0x38;
	[tilespmem:$0x1E680] =	vst v63  }
0x11: {  	_ =	swait.ge [sflag:s13], $0xE00  }
0x12: {  	[sflag:s13] =	ssyncset.done $0x0  }
0x13: {  	s22 =	sadd.s32 $0x0, s10;
	[sflag:s13] =	ssyncadd.s32 $0xFFFFF200  }
0x14: {  	[spmem:s22] =	stream.linear.scatter [tilespmem:s12], [sflag:$0x3], $0xE00, $0x38;
	[tilespmem:$0x1E680] =	vst v63  }
0x15: {  	s22 =	simm.s32 $0x3800;
	_ =	swait.ge [sflag:s13], $0xE00  }
.LBB2_2:
0x16: {  	s23 =	sshra.s32 s22, $0x2;
	[sflag:s13] =	ssyncset.done $0x0;
	p0 =	sne.s32 s22, $0x5E800  }
.Ltmp0:
0x17: {  	s23 =	sadd.s32 s23, s10;
	[sflag:s13] =	ssyncadd.s32 $0xFFFFF200;
	(pc) =	sbr.rel @p0 .LBB2_2-.Ltmp0, $3  }
0x18: {  	[spmem:s23] =	stream.linear.scatter [tilespmem:s12], [sflag:$0x3], $0xE00, $0x38;
	[tilespmem:$0x1E680] =	vst v63  }
0x19: {  	s22 =	sadd.s32 $0x3800, s22;
	_ =	sdelay $0x1  }
0x1a: {  	_ =	swait.ge [sflag:s13], $0xE00  }
.Ltmp1:
0x1b: {  	(pc) =	sbr.rel .LBB2_4-.Ltmp1, $4  }
0x1c: {  	[sflag:s13] =	ssyncset.done $0x0  }
0x1d: {  	[sflag:s13] =	ssyncadd.s32 $0xFFFFF200  }
0x1e: {  	[bflag:$0x0] =	sbarrier.arrive $0xFFFF  }
0x1f: {  	s22 =	simm.s32 $0x0;
	s23 =	simm.s32 $0x0  }
.LBB2_7:
0x20: {  	s23 =	sadd.s32 $0x1, s23  }
0x21: {  	p0 =	sne.s32 s23, $0x1C  }
.Ltmp2:
0x22: {  	_ = 	snop;
	(pc) =	sbr.rel @!p0 .LBB2_8-.Ltmp2, $1  }
0x23: {  	_ =	sdelay $0x3  }
.LBB2_4:
0x24: {  	s24 =	smul.u32 $0x700, s23;
	_ =	sdelay $0x1  }
0x25: {  	s24 =	sadd.s32 s8, s24  }
0x26: {  	s24 =	sshrl.u32 s24, $0x3  }
0x27: {  	s25 =	sadd.s32 s6, s24  }
0x28: {  	[tilespmem:s22], [sflag:$0x3] =	stream.linear.gather [hbm4b:s25+s22], $0x700, $0x38;
	[tilespmem:$0x1E680] =	vst v63  }
0x29: {  	_ =	swait.ge [sflag:s13], $0x700  }
0x2a: {  	[sflag:s13] =	ssyncset.done $0x0  }
0x2b: {  	s24 =	sadd.s32 s1, s24;
	[sflag:s13] =	ssyncadd.s32 $0xFFFFF900  }
0x2c: {  	[tilespmem:s14], [sflag:$0x3] =	stream.linear.gather [hbm4b:s24+s22], $0x700, $0x38;
	[tilespmem:$0x1E680] =	vst v63  }
0x2d: {  	_ =	swait.ge [sflag:s13], $0x700  }
0x2e: {  	[sflag:s13] =	ssyncset.done $0x0  }
0x2f: {  	[sflag:s13] =	ssyncadd.s32 $0xFFFFF900  }
0x30: {  	[tilespmem:s16], [sflag:$0x1] =	stream.indirect.gather [hbm4b:s5+s15], $0x40, s22, s15, $0xb8;
	[tilespmem:$0x1E680] =	vst v63  }
0x31: {  	s24 =	simm.s32 $0x0  }
0x32: {  	[tilespmem:s17], [sflag:$0x2] =	stream.indirect.gather [hbm4b:s5+s15], $0x40, s15, s15, $0xb8;
	[tilespmem:$0x1E680] =	vst v63  }
.LBB2_5:
0x33: {  	s25 =	sshra.s32 s24, $0x2  }
0x34: {  	v9 =	vld [tilespmem:s25+$0x700];
	_ =	sdelay $0x4  }
0x35: {  	v9 =	vsub.s32 v9, v0  }
0x36: {  	vm0 =	vlt.u32 v9, $0x6200  }
0x37: {  	v9 =	vsel vm0, v9, v1  }
0x38: {  	[tilespmem:$0xE00] =	vst v9  }
0x39: {  	v9 =	vld [tilespmem:s25+$0x710];
	_ =	sdelay $0x4  }
0x3a: {  	v9 =	vsub.s32 v9, v0  }
0x3b: {  	vm13 =	vlt.u32 v9, $0x6200  }
0x3c: {  	v9 =	vsel vm13, v9, v2  }
0x3d: {  	[tilespmem:$0xE10] =	vst v9  }
0x3e: {  	v9 =	vld [tilespmem:s25+$0x720];
	_ =	sdelay $0x4  }
0x3f: {  	v9 =	vsub.s32 v9, v0  }
0x40: {  	vm14 =	vlt.u32 v9, $0x6200  }
0x41: {  	v9 =	vsel vm14, v9, v3  }
0x42: {  	[tilespmem:$0xE20] =	vst v9  }
0x43: {  	v9 =	vld [tilespmem:s25+$0x730];
	_ =	sdelay $0x4  }
0x44: {  	v9 =	vsub.s32 v9, v0  }
0x45: {  	vm15 =	vlt.u32 v9, $0x6200  }
0x46: {  	v9 =	vsel vm15, v9, v4  }
0x47: {  	[tilespmem:$0xE30] =	vst v9  }
0x48: {  	v9 =	vld [tilespmem:s25+$0x740];
	_ =	sdelay $0x4  }
0x49: {  	v9 =	vsub.s32 v9, v0  }
0x4a: {  	vm4 =	vlt.u32 v9, $0x6200  }
0x4b: {  	v9 =	vsel vm4, v9, v5  }
0x4c: {  	[tilespmem:$0xE40] =	vst v9  }
0x4d: {  	v9 =	vld [tilespmem:s25+$0x750];
	_ =	sdelay $0x4  }
0x4e: {  	v9 =	vsub.s32 v9, v0  }
0x4f: {  	vm5 =	vlt.u32 v9, $0x6200  }
0x50: {  	v9 =	vsel vm5, v9, v6  }
0x51: {  	[tilespmem:$0xE50] =	vst v9  }
0x52: {  	v9 =	vld [tilespmem:s25+$0x760];
	_ =	sdelay $0x4  }
0x53: {  	v9 =	vsub.s32 v9, v0  }
0x54: {  	vm6 =	vlt.u32 v9, $0x6200  }
0x55: {  	v9 =	vsel vm6, v9, v7  }
0x56: {  	[tilespmem:$0xE60] =	vst v9  }
0x57: {  	v9 =	vld [tilespmem:s25+$0x770];
	_ =	sdelay $0x4  }
0x58: {  	v9 =	vsub.s32 v9, v0  }
0x59: {  	vm7 =	vlt.u32 v9, $0x6200  }
0x5a: {  	v9 =	vsel vm7, v9, v8  }
0x5b: {  	[tilespmem:$0xE70] =	vst v9  }
0x5c: {  	_ =	swait.ge [sflag:s18], $0x2000  }
0x5d: {  	[sflag:s18] =	ssyncset.done $0x0  }
0x5e: {  	[sflag:s18] =	ssyncadd.s32 $0xFFFFE000  }
0x5f: {  	[spmem:s2] =	stream.indirect.scatter.add.f32 [tilespmem:s16], [sflag:$0x3], $0x40, s19, s15, $0xb8;
	[tilespmem:$0x1E680] =	vst v63  }
0x60: {  	p0 =	seq.s32 s24, $0x1800;
	_ =	swait.ge [sflag:s13], $0x2000  }
0x61: {  	s26 =	sshra.s32 @!p0 s24, $0x2;
	s28 =	simm.s32 @!p0 $0x80;
	[sflag:s13] =	ssyncset.done $0x0  }
0x62: {  	s29 =	simm.s32 @!p0 $0xE80;
	s26 =	sadd.s32 @!p0 $0x100, s26;
	[sflag:s13] =	ssyncadd.s32 $0xFFFFE000  }
0x63: {  	[tilespmem:s29], [sflag:$0x1] =	stream.indirect.gather @!p0 [hbm4b:s5+s28], $0x40, s26, s28, $0xb8;
	[tilespmem:$0x1E680] =	vst v63  }
0x64: {  	v9 =	vld [tilespmem:s25+$0x780];
	_ =	sdelay $0x4  }
0x65: {  	v9 =	vsub.s32 v9, v0  }
0x66: {  	vm8 =	vlt.u32 v9, $0x6200  }
0x67: {  	v9 =	vsel vm8, v9, v1  }
0x68: {  	[tilespmem:$0xE00] =	vst v9  }
0x69: {  	v9 =	vld [tilespmem:s25+$0x790];
	_ =	sdelay $0x4  }
0x6a: {  	v9 =	vsub.s32 v9, v0  }
0x6b: {  	vm9 =	vlt.u32 v9, $0x6200  }
0x6c: {  	v9 =	vsel vm9, v9, v2  }
0x6d: {  	[tilespmem:$0xE10] =	vst v9  }
0x6e: {  	v9 =	vld [tilespmem:s25+$0x7A0];
	_ =	sdelay $0x4  }
0x6f: {  	v9 =	vsub.s32 v9, v0  }
0x70: {  	vm10 =	vlt.u32 v9, $0x6200  }
0x71: {  	v9 =	vsel vm10, v9, v3  }
0x72: {  	[tilespmem:$0xE20] =	vst v9  }
0x73: {  	v9 =	vld [tilespmem:s25+$0x7B0];
	_ =	sdelay $0x4  }
0x74: {  	v9 =	vsub.s32 v9, v0  }
0x75: {  	vm11 =	vlt.u32 v9, $0x6200  }
0x76: {  	v9 =	vsel vm11, v9, v4  }
0x77: {  	[tilespmem:$0xE30] =	vst v9  }
0x78: {  	v9 =	vld [tilespmem:s25+$0x7C0];
	_ =	sdelay $0x4  }
0x79: {  	v9 =	vsub.s32 v9, v0  }
0x7a: {  	vm12 =	vlt.u32 v9, $0x6200  }
0x7b: {  	v9 =	vsel vm12, v9, v5  }
0x7c: {  	[tilespmem:$0xE40] =	vst v9  }
0x7d: {  	v9 =	vld [tilespmem:s25+$0x7D0];
	_ =	sdelay $0x4  }
0x7e: {  	v9 =	vsub.s32 v9, v0  }
0x7f: {  	vm13 =	vlt.u32 v9, $0x6200  }
0x80: {  	v9 =	vsel vm13, v9, v6  }
0x81: {  	[tilespmem:$0xE50] =	vst v9  }
0x82: {  	v9 =	vld [tilespmem:s25+$0x7E0];
	_ =	sdelay $0x4  }
0x83: {  	v9 =	vsub.s32 v9, v0  }
0x84: {  	vm14 =	vlt.u32 v9, $0x6200  }
0x85: {  	v9 =	vsel vm14, v9, v7  }
0x86: {  	[tilespmem:$0xE60] =	vst v9  }
0x87: {  	v9 =	vld [tilespmem:s25+$0x7F0];
	_ =	sdelay $0x4  }
0x88: {  	v9 =	vsub.s32 v9, v0  }
0x89: {  	vm15 =	vlt.u32 v9, $0x6200  }
0x8a: {  	v9 =	vsel vm15, v9, v8  }
0x8b: {  	[tilespmem:$0xE70] =	vst v9  }
0x8c: {  	_ =	swait.ge [sflag:s20], $0x2000  }
0x8d: {  	[sflag:s20] =	ssyncset.done $0x0  }
.Ltmp3:
0x8e: {  	[sflag:s20] =	ssyncadd.s32 $0xFFFFE000;
	(pc) =	sbr.rel @p0 .LBB2_7-.Ltmp3, $4  }
0x8f: {  	[spmem:s2] =	stream.indirect.scatter.add.f32 [tilespmem:s17], [sflag:$0x3], $0x40, s19, s15, $0xb8;
	[tilespmem:$0x1E680] =	vst v63  }
0x90: {  	_ =	swait.ge [sflag:s13], $0x2000  }
0x91: {  	[sflag:s13] =	ssyncset.done $0x0  }
0x92: {  	[sflag:s13] =	ssyncadd.s32 $0xFFFFE000  }
.Ltmp4:
0x93: {  	(pc) =	sbr.rel .LBB2_5-.Ltmp4, $3  }
0x94: {  	_ =	sdelay $0x1  }
0x95: {  	s25 =	sadd.s32 $0x180, s25;
	s24 =	sadd.s32 $0x400, s24  }
0x96: {  	[tilespmem:s17], [sflag:$0x2] =	stream.indirect.gather [hbm4b:s5+s15], $0x40, s25, s15, $0xb8;
	[tilespmem:$0x1E680] =	vst v63  }
.LBB2_8:
0x97: {  	[bflag:$0x0] =	sbarrier.arrive $0xFFFF  }
0x98: {  	[tilespmem:s12], [sflag:$0x3] =	stream.linear.gather [spmem:s10], $0xE00, $0x38;
	[tilespmem:$0x1E680] =	vst v63  }
0x99: {  	_ =	swait.ge [sflag:s13], $0xE00  }
0x9a: {  	[sflag:s13] =	ssyncset.done $0x0  }
0x9b: {  	s22 =	sadd.s32 $0x0, s11;
	[sflag:s13] =	ssyncadd.s32 $0xFFFFF200  }
0x9c: {  	[hbm4b:s22+s3] =	stream.linear.scatter [tilespmem:s12], [sflag:$0x3], $0xE00, $0x38;
	[tilespmem:$0x1E680] =	vst v63  }
0x9d: {  	_ =	swait.ge [sflag:s13], $0xE00  }
0x9e: {  	s23 =	smov.u32 s10;
	s22 =	simm.s32 $0x1C0;
	[sflag:s13] =	ssyncset.done $0x0  }
.LBB2_9:
0x9f: {  	p0 =	sne.s32 s22, $0x2F40;
	[sflag:s13] =	ssyncadd.s32 $0xFFFFF200;
	s23 =	sadd.s32 $0xE00, s23  }
0xa0: {  	[tilespmem:s12], [sflag:$0x3] =	stream.linear.gather [spmem:s23], $0xE00, $0x38;
	[tilespmem:$0x1E680] =	vst v63  }
0xa1: {  	s24 =	smov.u32 s22;
	s22 =	sadd.s32 $0x1C0, s22;
	_ =	swait.ge [sflag:s13], $0xE00  }
.Ltmp5:
0xa2: {  	[sflag:s13] =	ssyncset.done $0x0;
	(pc) =	sbr.rel @p0 .LBB2_9-.Ltmp5, $4  }
0xa3: {  	s24 =	sadd.s32 s24, s11;
	[sflag:s13] =	ssyncadd.s32 $0xFFFFF200  }
0xa4: {  	[hbm4b:s24+s3] =	stream.linear.scatter [tilespmem:s12], [sflag:$0x3], $0xE00, $0x38;
	[tilespmem:$0x1E680] =	vst v63  }
0xa5: {  	_ =	swait.ge [sflag:s13], $0xE00  }
0xa6: {  	[sflag:s13] =	ssyncset.done $0x0  }
0xa7: {  	s21 =	sadd.s32 $0x1, s21  }
0xa8: {  	p0 =	sne.s32 s21, s9  }
.Ltmp6:
0xa9: {  	_ = 	snop;
	(pc) =	sbr.rel @p0 .LBB2_1-.Ltmp6, $2  }
0xaa: {  	_ =	sdelay $0x2  }
0xab: {  	[sflag:s13] =	ssyncadd.s32 $0xFFFFF200  }
0xac: {  	_ =	sfence.sel $0x180000  }
0xad: {  	[bflag:$0x0] =	sbarrier.arrive $0xFFFF  }
0xae: {  	p0 =	sne.s32 s4, $0x0;
	_ =	strace $0x9000004A  }
0xaf: {  	s0 =	sadd.s32 @!p0 $0x100000, s0;
	[bflag:$0x2] =	sbarrier.arrive $0xFFFF  }
0xb0: {  	[sflag:s0] =	ssyncadd.tile.s32 @!p0 $0x1;
	_ =	shalt  }
.Lfunc_end2:
_tile_overlayer_lowered:
.L_overlay_start_2:
0xb1: {  	(tag) =	ssettag $0x2  }
0xb2: {  	s0 =	rddreg [dreg:$0x0];
	s2 =	stileid.u32  }
0xb3: {  	s1 =	rddreg [dreg:$0x1];
	p0 =	sne.s32 s2, $0x0  }
0xb4: {  	s3 =	rddreg [dreg:$0x2];
	[bflag:$0x3] =	sbarrier.arrive $0xFFFF;
	s2 =	simm.s32 @!p0 $0x1C03  }
0xb5: {  	[timem:s3], [sflag:s2] =	dma.local @!p0 [hbm:s0], s1  }
0xb6: {  	s0 =	simm.s32 @!p0 $0x3  }
0xb7: {  	_ =	swait.ge @!p0 [sflag:s0], s1  }
0xb8: {  	s1 =	ssub.s32 @!p0 $0x0, s1;
	[sflag:s0] =	ssyncset.done @!p0 $0x0  }
0xb9: {  	[sflag:s0] =	ssyncadd.s32 @!p0 s1  }
0xba: {  	[bflag:$0x3] =	sbarrier.arrive $0xFFFF  }
0xbb: {  	_ =	shalt  }

</sc_bundles>
